<compile_context>
chip_gen: v7x
topology: tpu7x:2x2x1
jax: 0.10.2.dev20260603
libtpu: 0.0.44.dev20260713+nightly
codegen_flags: <defaults>
</compile_context>

<pallas_src>
import functools

import jax
import jax.numpy as jnp
from jax import lax
from jax.experimental import pallas as pl
from jax.experimental.pallas import tpu as pltpu
from jax.experimental.pallas import tpu_sc as plsc

N = 10000
D = 128
E = 320000

NC = 2
NS = 16
CH = 128
G = 8
NG = 10
NCHUNK = NG * G
EPAD = NC * NS * NCHUNK * CH
DUMMY = N
ZROWS = ((N + 1 + NS - 1) // NS + 7) // 8 * 8
N_ACC = ZROWS * NS


def _sc_segment_sum(features, src_r, dst_r):
    mesh = plsc.VectorSubcoreMesh(core_axis_name="c", subcore_axis_name="s")

    @functools.partial(
        pl.kernel,
        out_type=jax.ShapeDtypeStruct((NC, N_ACC, D), jnp.float32),
        mesh=mesh,
        scratch_types=[
            pltpu.VMEM((G, CH), jnp.int32),
            pltpu.VMEM((G, CH), jnp.int32),
            pltpu.VMEM((1, CH), jnp.int32),
            pltpu.VMEM((CH, D), jnp.float32),
            pltpu.VMEM((CH, D), jnp.float32),
            pltpu.VMEM_SHARED((N_ACC, D), jnp.float32),
            pltpu.SemaphoreType.DMA,
            pltpu.SemaphoreType.DMA,
            pltpu.SemaphoreType.DMA,
            pltpu.SemaphoreType.DMA,
        ],
    )
    def seg_sum(feat_hbm, srci_hbm, dsti_hbm, part_hbm,
                srcA, dstA, dumv, rows0, rows1, acc,
                sem_g0, sem_g1, sem_s0, sem_s1):
        c = lax.axis_index("c")
        s = lax.axis_index("s")
        base = s * ZROWS

        def drain_rows(sem, buf):
            pltpu.make_async_copy(feat_hbm.at[pl.ds(0, CH)], buf, sem).wait()

        for j in range(CH // 16):
            dumv[0, pl.ds(j * 16, 16)] = jnp.full((16,), DUMMY, jnp.int32)

        def zero_rows(i, carry):
            r = i // (D // 16)
            col = (i % (D // 16)) * 16
            rows0[r, pl.ds(col, 16)] = jnp.zeros((16,), jnp.float32)
            return carry

        lax.fori_loop(0, CH * (D // 16), zero_rows, 0)

        nfull = ZROWS // CH
        rem = ZROWS % CH

        def zero_acc(k, carry):
            pltpu.sync_copy(rows0, acc.at[pl.ds(base + k * CH, CH)])
            return carry

        lax.fori_loop(0, nfull, zero_acc, 0)
        if rem:
            pltpu.sync_copy(rows0.at[pl.ds(0, rem)],
                            acc.at[pl.ds(base + nfull * CH, rem)])
        plsc.subcore_barrier()

        def body(g, carry):
            pltpu.sync_copy(srci_hbm.at[c, s, g], srcA)
            pltpu.sync_copy(dsti_hbm.at[c, s, g], dstA)
            pltpu.async_copy(feat_hbm.at[srcA.at[0]], rows0, sem_g0)
            for b in range(G):
                if b % 2 == 0:
                    rows, sem_g, sem_s = rows0, sem_g0, sem_s0
                    rowsq, sem_gq, sem_sq = rows1, sem_g1, sem_s1
                else:
                    rows, sem_g, sem_s = rows1, sem_g1, sem_s1
                    rowsq, sem_gq, sem_sq = rows0, sem_g0, sem_s0
                if b < G - 1:
                    if b >= 1:
                        drain_rows(sem_sq, rowsq)
                    pltpu.async_copy(feat_hbm.at[srcA.at[b + 1]], rowsq,
                                     sem_gq)
                drain_rows(sem_g, rows)
                pltpu.async_copy(rows, acc.at[dstA.at[b]], sem_s, add=True)
            drain_rows(sem_s0, rows0)
            drain_rows(sem_s1, rows1)
            return carry

        lax.fori_loop(0, NG, body, 0)
        plsc.subcore_barrier()

        pltpu.sync_copy(acc.at[pl.ds(base, ZROWS)],
                        part_hbm.at[c, pl.ds(base, ZROWS)])

    return seg_sum(features, src_r, dst_r)


def _tc_tail(features, p0, p1, d_norm, W0, b0, W1, b1):
    R = 2000
    grid = (N // R,)

    def body(x_ref, p0_ref, p1_ref, d_ref, w0_ref, b0_ref, w1_ref, b1_ref, o_ref):
        x = x_ref[...]
        o_ref[:, :D] = (
            jnp.dot(x, w0_ref[...], preferred_element_type=jnp.float32)
            + b0_ref[...]
        )
        h = (p0_ref[...] + p1_ref[...]) * d_ref[...]
        o_ref[:, D:] = (
            jnp.dot(h, w1_ref[...], preferred_element_type=jnp.float32)
            + b1_ref[...]
        )

    return pl.pallas_call(
        body,
        grid=grid,
        in_specs=[
            pl.BlockSpec((R, D), lambda i: (i, 0)),
            pl.BlockSpec((R, D), lambda i: (i, 0)),
            pl.BlockSpec((R, D), lambda i: (i, 0)),
            pl.BlockSpec((R, 1), lambda i: (i, 0)),
            pl.BlockSpec((D, D), lambda i: (0, 0)),
            pl.BlockSpec((1, D), lambda i: (0, 0)),
            pl.BlockSpec((D, D), lambda i: (0, 0)),
            pl.BlockSpec((1, D), lambda i: (0, 0)),
        ],
        out_specs=pl.BlockSpec((R, 2 * D), lambda i: (i, 0)),
        out_shape=jax.ShapeDtypeStruct((N, 2 * D), jnp.float32),
    )(features, p0, p1, d_norm, W0, b0, W1, b1)


def kernel(features, edge_index, D_norm, W0, b0, W1, b1):
    src = edge_index[0].astype(jnp.int32)
    dst = edge_index[1].astype(jnp.int32)
    pad = EPAD - E
    src_r = jnp.concatenate([src, jnp.zeros((pad,), jnp.int32)])
    dst_r = jnp.concatenate([dst, jnp.full((pad,), DUMMY, jnp.int32)])
    src_r = src_r.reshape(NC, NS, NG, G, CH)
    dst_r = dst_r.reshape(NC, NS, NG, G, CH)

    part = _sc_segment_sum(features, src_r, dst_r)
    return _tc_tail(features, part[0], part[1], D_norm,
                    W0, b0.reshape(1, D), W1, b1.reshape(1, D))

# --- scband reference (transcript-rebuilt; emitter-appended) ---
"""Pipeline reference for scband-gcnlayer-55439437857136 (READ-ONLY COPY).

The authoritative reference and input builder live on the scoring server;
editing this copy changes nothing except your own understanding.
"""

import jax, jax.numpy as jnp
import numpy as np

N_NODES = 10000
N_EDGES = 320000
D_IN = 128
D_OUT = 128


def setup_inputs(seed: int = 0) -> dict:
    key = jax.random.key(seed)
    k1, k2, k3, k4, k5 = jax.random.split(key, 5)
    features = jax.random.normal(k1, (N_NODES, D_IN), dtype=jnp.float32)
    edge_index = jax.random.randint(k2, (2, N_EDGES), 0, N_NODES, dtype=jnp.int64)
    D_norm = jax.random.uniform(k3, (N_NODES, 1), dtype=jnp.float32)
    # Linear weights (xavier-normal init), stored as [in, out] so h @ W matches torch h @ W.T
    std = float(np.sqrt(2.0 / (D_IN + D_OUT)))
    W0 = jax.random.normal(k4, (D_IN, D_OUT), dtype=jnp.float32) * std
    W1 = jax.random.normal(k5, (D_IN, D_OUT), dtype=jnp.float32) * std
    b0 = jnp.zeros((D_OUT,), dtype=jnp.float32)
    b1 = jnp.zeros((D_OUT,), dtype=jnp.float32)
    return {"features": features, "edge_index": edge_index, "D_norm": D_norm,
            "W0": W0, "b0": b0, "W1": W1, "b1": b1}


def reference(features, edge_index, D_norm, W0, b0, W1, b1):
    # GCNLayer(order=1, act=None, dropout=0, batch_norm=False, aggr='concat')
    src = edge_index[0]
    dst = edge_index[1]
    h_in = features  # dropout with p=0 is identity
    # update_all(u_mul_e('h','w','m'), sum('m','h')) with w == ones:
    # message m_e = h[src_e] * 1.0; aggregate: sum of messages into dst node
    msg = jnp.take(h_in, src, axis=0)  # gather [E, D_IN]
    h = jax.ops.segment_sum(msg, dst, num_segments=h_in.shape[0])  # scatter-add [N, D_IN]
    h = h * D_norm
    h_hop = [h_in, h]
    # feat_trans: Linear (no bias in lin) + explicit bias param; act=None; no batch_norm
    h_part0 = h_hop[0] @ W0 + b0
    h_part1 = h_hop[1] @ W1 + b1
    # aggr == 'concat'
    h_out = jnp.concatenate([h_part0, h_part1], axis=1)
    return h_out

if __name__ == "__main__":
    import jax
    _d = setup_inputs()
    print(jax.jit(kernel)(*tuple(_d.values())))

</pallas_src>

<mosaic_0001>
#map = affine_map<(d0, d1) -> (0, 0)>
#map1 = affine_map<(d0, d1) -> (0, 0, 0, 0, 0)>
#map2 = affine_map<(d0, d1) -> (0, 0, 0)>
module attributes {stable_mosaic.version = 14 : i64} {
  func.func @seg_sum(%arg0: i32, %arg1: i32, %arg2: memref<10000x128xf32, #tpu.memory_space<hbm>>, %arg3: memref<2x16x10x8x128xi32, #tpu.memory_space<hbm>>, %arg4: memref<2x16x10x8x128xi32, #tpu.memory_space<hbm>>, %arg5: memref<2x10112x128xf32, #tpu.memory_space<hbm>>, %arg6: memref<8x128xi32, #tpu.memory_space<vmem>>, %arg7: memref<8x128xi32, #tpu.memory_space<vmem>>, %arg8: memref<1x128xi32, #tpu.memory_space<vmem>>, %arg9: memref<128x128xf32, #tpu.memory_space<vmem>>, %arg10: memref<128x128xf32, #tpu.memory_space<vmem>>, %arg11: memref<10112x128xf32, #tpu.memory_space<vmem_shared>>, %arg12: memref<!tpu.dma_semaphore, #tpu.memory_space<semaphore_mem>>, %arg13: memref<!tpu.dma_semaphore, #tpu.memory_space<semaphore_mem>>, %arg14: memref<!tpu.dma_semaphore, #tpu.memory_space<semaphore_mem>>, %arg15: memref<!tpu.dma_semaphore, #tpu.memory_space<semaphore_mem>>) attributes {dimension_semantics = [#tpu.dimension_semantics<core_parallel>, #tpu.dimension_semantics<subcore_parallel>], iteration_bounds = array<i64: 2, 16>, scalar_prefetch = 0 : i64, scratch_operands = 10 : i64, tpu.core_type = #tpu.core_type<sc_vector_subcore>, window_params = [{transform_indices = #map}, {transform_indices = #map1}, {transform_indices = #map1}, {transform_indices = #map2}]} {
    %mul3A = arith.constant 632 : i32
    %mul3A_0 = arith.muli %arg1, %mul3A : i32
    %broadcast_in_dim3A = arith.constant 10000 : i32
    %broadcast_in_dim3A_1 = vector.broadcast %broadcast_in_dim3A : i32 to vector<16xi32>
    %swap3A = arith.constant 0 : i32
    %swap3A_2 = arith.index_cast %swap3A : i32 to index
    %swap3A_3 = arith.constant 0 : index
    %swap3A_4 = tpu.vector_load %arg8[%swap3A_2, %swap3A_3] {strides = array<i32>} : memref<1x128xi32, #tpu.memory_space<vmem>>, vector<1x16xi32>,
    %swap3A_5 = vector.shape_cast %swap3A_4 : vector<1x16xi32> to vector<16xi32>
    %swap3A_6 = vector.shape_cast %broadcast_in_dim3A_1 : vector<16xi32> to vector<1x16xi32>
    tpu.vector_store %arg8[%swap3A_2, %swap3A_3], %swap3A_6 {strides = array<i32>} : memref<1x128xi32, #tpu.memory_space<vmem>>, vector<1x16xi32>,
    %broadcast_in_dim3A_7 = arith.constant 10000 : i32
    %broadcast_in_dim3A_8 = vector.broadcast %broadcast_in_dim3A_7 : i32 to vector<16xi32>
    %swap3A_9 = arith.constant 0 : i32
    %swap3A_10 = arith.index_cast %swap3A_9 : i32 to index
    %swap3A_11 = arith.constant 16 : index
    %swap3A_12 = tpu.vector_load %arg8[%swap3A_10, %swap3A_11] {strides = array<i32>} : memref<1x128xi32, #tpu.memory_space<vmem>>, vector<1x16xi32>,
    %swap3A_13 = vector.shape_cast %swap3A_12 : vector<1x16xi32> to vector<16xi32>
    %swap3A_14 = vector.shape_cast %broadcast_in_dim3A_8 : vector<16xi32> to vector<1x16xi32>
    tpu.vector_store %arg8[%swap3A_10, %swap3A_11], %swap3A_14 {strides = array<i32>} : memref<1x128xi32, #tpu.memory_space<vmem>>, vector<1x16xi32>,
    %broadcast_in_dim3A_15 = arith.constant 10000 : i32
    %broadcast_in_dim3A_16 = vector.broadcast %broadcast_in_dim3A_15 : i32 to vector<16xi32>
    %swap3A_17 = arith.constant 0 : i32
    %swap3A_18 = arith.index_cast %swap3A_17 : i32 to index
    %swap3A_19 = arith.constant 32 : index
    %swap3A_20 = tpu.vector_load %arg8[%swap3A_18, %swap3A_19] {strides = array<i32>} : memref<1x128xi32, #tpu.memory_space<vmem>>, vector<1x16xi32>,
    %swap3A_21 = vector.shape_cast %swap3A_20 : vector<1x16xi32> to vector<16xi32>
    %swap3A_22 = vector.shape_cast %broadcast_in_dim3A_16 : vector<16xi32> to vector<1x16xi32>
    tpu.vector_store %arg8[%swap3A_18, %swap3A_19], %swap3A_22 {strides = array<i32>} : memref<1x128xi32, #tpu.memory_space<vmem>>, vector<1x16xi32>,
    %broadcast_in_dim3A_23 = arith.constant 10000 : i32
    %broadcast_in_dim3A_24 = vector.broadcast %broadcast_in_dim3A_23 : i32 to vector<16xi32>
    %swap3A_25 = arith.constant 0 : i32
    %swap3A_26 = arith.index_cast %swap3A_25 : i32 to index
    %swap3A_27 = arith.constant 48 : index
    %swap3A_28 = tpu.vector_load %arg8[%swap3A_26, %swap3A_27] {strides = array<i32>} : memref<1x128xi32, #tpu.memory_space<vmem>>, vector<1x16xi32>,
    %swap3A_29 = vector.shape_cast %swap3A_28 : vector<1x16xi32> to vector<16xi32>
    %swap3A_30 = vector.shape_cast %broadcast_in_dim3A_24 : vector<16xi32> to vector<1x16xi32>
    tpu.vector_store %arg8[%swap3A_26, %swap3A_27], %swap3A_30 {strides = array<i32>} : memref<1x128xi32, #tpu.memory_space<vmem>>, vector<1x16xi32>,
    %broadcast_in_dim3A_31 = arith.constant 10000 : i32
    %broadcast_in_dim3A_32 = vector.broadcast %broadcast_in_dim3A_31 : i32 to vector<16xi32>
    %swap3A_33 = arith.constant 0 : i32
    %swap3A_34 = arith.index_cast %swap3A_33 : i32 to index
    %swap3A_35 = arith.constant 64 : index
    %swap3A_36 = tpu.vector_load %arg8[%swap3A_34, %swap3A_35] {strides = array<i32>} : memref<1x128xi32, #tpu.memory_space<vmem>>, vector<1x16xi32>,
    %swap3A_37 = vector.shape_cast %swap3A_36 : vector<1x16xi32> to vector<16xi32>
    %swap3A_38 = vector.shape_cast %broadcast_in_dim3A_32 : vector<16xi32> to vector<1x16xi32>
    tpu.vector_store %arg8[%swap3A_34, %swap3A_35], %swap3A_38 {strides = array<i32>} : memref<1x128xi32, #tpu.memory_space<vmem>>, vector<1x16xi32>,
    %broadcast_in_dim3A_39 = arith.constant 10000 : i32
    %broadcast_in_dim3A_40 = vector.broadcast %broadcast_in_dim3A_39 : i32 to vector<16xi32>
    %swap3A_41 = arith.constant 0 : i32
    %swap3A_42 = arith.index_cast %swap3A_41 : i32 to index
    %swap3A_43 = arith.constant 80 : index
    %swap3A_44 = tpu.vector_load %arg8[%swap3A_42, %swap3A_43] {strides = array<i32>} : memref<1x128xi32, #tpu.memory_space<vmem>>, vector<1x16xi32>,
    %swap3A_45 = vector.shape_cast %swap3A_44 : vector<1x16xi32> to vector<16xi32>
    %swap3A_46 = vector.shape_cast %broadcast_in_dim3A_40 : vector<16xi32> to vector<1x16xi32>
    tpu.vector_store %arg8[%swap3A_42, %swap3A_43], %swap3A_46 {strides = array<i32>} : memref<1x128xi32, #tpu.memory_space<vmem>>, vector<1x16xi32>,
    %broadcast_in_dim3A_47 = arith.constant 10000 : i32
    %broadcast_in_dim3A_48 = vector.broadcast %broadcast_in_dim3A_47 : i32 to vector<16xi32>
    %swap3A_49 = arith.constant 0 : i32
    %swap3A_50 = arith.index_cast %swap3A_49 : i32 to index
    %swap3A_51 = arith.constant 96 : index
    %swap3A_52 = tpu.vector_load %arg8[%swap3A_50, %swap3A_51] {strides = array<i32>} : memref<1x128xi32, #tpu.memory_space<vmem>>, vector<1x16xi32>,
    %swap3A_53 = vector.shape_cast %swap3A_52 : vector<1x16xi32> to vector<16xi32>
    %swap3A_54 = vector.shape_cast %broadcast_in_dim3A_48 : vector<16xi32> to vector<1x16xi32>
    tpu.vector_store %arg8[%swap3A_50, %swap3A_51], %swap3A_54 {strides = array<i32>} : memref<1x128xi32, #tpu.memory_space<vmem>>, vector<1x16xi32>,
    %broadcast_in_dim3A_55 = arith.constant 10000 : i32
    %broadcast_in_dim3A_56 = vector.broadcast %broadcast_in_dim3A_55 : i32 to vector<16xi32>
    %swap3A_57 = arith.constant 0 : i32
    %swap3A_58 = arith.index_cast %swap3A_57 : i32 to index
    %swap3A_59 = arith.constant 112 : index
    %swap3A_60 = tpu.vector_load %arg8[%swap3A_58, %swap3A_59] {strides = array<i32>} : memref<1x128xi32, #tpu.memory_space<vmem>>, vector<1x16xi32>,
    %swap3A_61 = vector.shape_cast %swap3A_60 : vector<1x16xi32> to vector<16xi32>
    %swap3A_62 = vector.shape_cast %broadcast_in_dim3A_56 : vector<16xi32> to vector<1x16xi32>
    tpu.vector_store %arg8[%swap3A_58, %swap3A_59], %swap3A_62 {strides = array<i32>} : memref<1x128xi32, #tpu.memory_space<vmem>>, vector<1x16xi32>,
    %scan3A = arith.constant 0 : i32
    %scan3A_63 = arith.constant 0 : i32
    %scan3A_64 = arith.constant 1024 : i32
    %scan3A_65 = arith.addi %scan3A_63, %scan3A_64 : i32
    %scan3A_66 = arith.constant 1 : i32
    scf.for %scan3A_82 = %scan3A_63 to %scan3A_65 step %scan3A_66  : i32 {
      %jit3A = arith.constant 8 : i32
      %div3A = arith.divsi %scan3A_82, %jit3A : i32
      %sign3A = arith.constant 0 : i32
      %sign3A_83 = arith.cmpi sgt, %scan3A_82, %sign3A : i32
      %sign3A_84 = arith.extui %sign3A_83 : i1 to i32
      %sign3A_85 = arith.constant 0 : i32
      %sign3A_86 = arith.cmpi slt, %scan3A_82, %sign3A_85 : i32
      %sign3A_87 = arith.extui %sign3A_86 : i1 to i32
      %sign3A_88 = arith.subi %sign3A_84, %sign3A_87 : i32
      %sign3A_89 = arith.constant 0 : i32
      %sign3A_90 = arith.cmpi sgt, %jit3A, %sign3A_89 : i32
      %sign3A_91 = arith.extui %sign3A_90 : i1 to i32
      %sign3A_92 = arith.constant 0 : i32
      %sign3A_93 = arith.cmpi slt, %jit3A, %sign3A_92 : i32
      %sign3A_94 = arith.extui %sign3A_93 : i1 to i32
      %sign3A_95 = arith.subi %sign3A_91, %sign3A_94 : i32
      %ne3A = arith.cmpi ne, %sign3A_88, %sign3A_95 : i32
      %rem3A = arith.remsi %scan3A_82, %jit3A : i32
      %ne3A_96 = arith.constant 0 : i32
      %ne3A_97 = arith.cmpi ne, %rem3A, %ne3A_96 : i32
      %and3A = arith.andi %ne3A, %ne3A_97 : i1
      %sub3A = arith.constant 1 : i32
      %sub3A_98 = arith.subi %div3A, %sub3A : i32
      %select_n3A = arith.select %and3A, %sub3A_98, %div3A : i32
      %jit3A_99 = arith.constant 8 : i32
      %eq3A = arith.constant 0 : i32
      %eq3A_100 = arith.cmpi eq, %jit3A_99, %eq3A : i32
      %jit3A_101 = arith.constant 1 : i32
      %select_n3A_102 = arith.select %eq3A_100, %jit3A_101, %jit3A_99 : i32
      %rem3A_103 = arith.remsi %scan3A_82, %select_n3A_102 : i32
      %ne3A_104 = arith.constant 0 : i32
      %ne3A_105 = arith.cmpi ne, %rem3A_103, %ne3A_104 : i32
      %lt3A = arith.constant 0 : i32
      %lt3A_106 = arith.cmpi slt, %rem3A_103, %lt3A : i32
      %lt3A_107 = arith.constant 0 : i32
      %lt3A_108 = arith.cmpi slt, %select_n3A_102, %lt3A_107 : i32
      %ne3A_109 = arith.xori %lt3A_106, %lt3A_108 : i1
      %and3A_110 = arith.andi %ne3A_109, %ne3A_105 : i1
      %add3A_111 = arith.addi %rem3A_103, %select_n3A_102 : i32
      %select_n3A_112 = arith.select %and3A_110, %add3A_111, %rem3A_103 : i32
      %mul3A_113 = arith.constant 16 : i32
      %mul3A_114 = arith.muli %select_n3A_112, %mul3A_113 : i32
      %broadcast_in_dim3A_115 = arith.constant 0.000000e+00 : f32
      %broadcast_in_dim3A_116 = vector.broadcast %broadcast_in_dim3A_115 : f32 to vector<16xf32>
      %swap3A_117 = arith.index_cast %select_n3A : i32 to index
      %swap3A_118 = arith.index_cast %mul3A_114 : i32 to index
      %swap3A_119 = tpu.vector_load %arg9[%swap3A_117, %swap3A_118] {strides = array<i32>} : memref<128x128xf32, #tpu.memory_space<vmem>>, vector<1x16xf32>,
      %swap3A_120 = vector.shape_cast %swap3A_119 : vector<1x16xf32> to vector<16xf32>
      %swap3A_121 = vector.shape_cast %broadcast_in_dim3A_116 : vector<16xf32> to vector<1x16xf32>
      tpu.vector_store %arg9[%swap3A_117, %swap3A_118], %swap3A_121 {strides = array<i32>} : memref<128x128xf32, #tpu.memory_space<vmem>>, vector<1x16xf32>,
    }
    %scan3A_67 = arith.constant 1024 : i32
    %scan3A_68 = arith.constant 0 : i32
    %scan3A_69 = arith.constant 0 : i32
    %scan3A_70 = arith.constant 4 : i32
    %scan3A_71 = arith.addi %scan3A_69, %scan3A_70 : i32
    %scan3A_72 = arith.constant 1 : i32
    scf.for %scan3A_82 = %scan3A_69 to %scan3A_71 step %scan3A_72  : i32 {
      %mul3A_83 = arith.constant 128 : i32
      %mul3A_84 = arith.muli %scan3A_82, %mul3A_83 : i32
      %add3A_85 = arith.addi %mul3A_0, %mul3A_84 : i32
      "tpu.region"() ({
        %run_scoped3A = tpu.sem_alloc : memref<!tpu.dma_semaphore, #tpu.memory_space<semaphore_mem>>
        %dma_start3A = arith.constant 0 : i32
        %dma_start3A_86 = tpu.memref_slice %arg11[%add3A_85, %dma_start3A] : memref<10112x128xf32, #tpu.memory_space<vmem_shared>> -> memref<128x128xf32, #tpu.memory_space<vmem_shared>>
        %dma_start3A_87 = arith.constant 0 : i32
        %dma_start3A_88 = tpu.memref_slice %arg11[%add3A_85, %dma_start3A_87] : memref<10112x128xf32, #tpu.memory_space<vmem_shared>> -> memref<128x128xf32, #tpu.memory_space<vmem_shared>>
        tpu.enqueue_dma source(%arg9 : memref<128x128xf32, #tpu.memory_space<vmem>>) target(%dma_start3A_88 : memref<128x128xf32, #tpu.memory_space<vmem_shared>>) target_semaphore(%run_scoped3A : memref<!tpu.dma_semaphore, #tpu.memory_space<semaphore_mem>>)
        %dma_wait3A = arith.constant 0 : i32
        %dma_wait3A_89 = tpu.memref_slice %arg11[%add3A_85, %dma_wait3A] : memref<10112x128xf32, #tpu.memory_space<vmem_shared>> -> memref<128x128xf32, #tpu.memory_space<vmem_shared>>
        %dma_wait3A_90 = arith.constant 0 : i32
        %dma_wait3A_91 = tpu.memref_slice %arg11[%add3A_85, %dma_wait3A_90] : memref<10112x128xf32, #tpu.memory_space<vmem_shared>> -> memref<128x128xf32, #tpu.memory_space<vmem_shared>>
        tpu.wait_dma2 semaphore(%run_scoped3A : memref<!tpu.dma_semaphore, #tpu.memory_space<semaphore_mem>>) src(%arg9 : memref<128x128xf32, #tpu.memory_space<vmem>>) dst(%dma_wait3A_91 : memref<128x128xf32, #tpu.memory_space<vmem_shared>>)
        tpu.yield
      }) : () -> ()
    }
    %scan3A_73 = arith.constant 4 : i32
    %add3A = arith.constant 512 : i32
    %add3A_74 = arith.addi %mul3A_0, %add3A : i32
    "tpu.region"() ({
      %run_scoped3A = tpu.sem_alloc : memref<!tpu.dma_semaphore, #tpu.memory_space<semaphore_mem>>
      %dma_start3A = arith.constant 0 : i32
      %dma_start3A_82 = arith.constant 0 : i32
      %dma_start3A_83 = tpu.memref_slice %arg9[%dma_start3A, %dma_start3A_82] : memref<128x128xf32, #tpu.memory_space<vmem>> -> memref<120x128xf32, #tpu.memory_space<vmem>>
      %dma_start3A_84 = arith.constant 0 : i32
      %dma_start3A_85 = tpu.memref_slice %arg11[%add3A_74, %dma_start3A_84] : memref<10112x128xf32, #tpu.memory_space<vmem_shared>> -> memref<120x128xf32, #tpu.memory_space<vmem_shared>>
      %dma_start3A_86 = arith.constant 0 : i32
      %dma_start3A_87 = tpu.memref_slice %arg11[%add3A_74, %dma_start3A_86] : memref<10112x128xf32, #tpu.memory_space<vmem_shared>> -> memref<120x128xf32, #tpu.memory_space<vmem_shared>>
      %dma_start3A_88 = arith.constant 0 : i32
      %dma_start3A_89 = arith.constant 0 : i32
      %dma_start3A_90 = tpu.memref_slice %arg9[%dma_start3A_88, %dma_start3A_89] : memref<128x128xf32, #tpu.memory_space<vmem>> -> memref<120x128xf32, #tpu.memory_space<vmem>>
      tpu.enqueue_dma source(%dma_start3A_90 : memref<120x128xf32, #tpu.memory_space<vmem>>) target(%dma_start3A_87 : memref<120x128xf32, #tpu.memory_space<vmem_shared>>) target_semaphore(%run_scoped3A : memref<!tpu.dma_semaphore, #tpu.memory_space<semaphore_mem>>)
      %dma_wait3A = arith.constant 0 : i32
      %dma_wait3A_91 = arith.constant 0 : i32
      %dma_wait3A_92 = tpu.memref_slice %arg9[%dma_wait3A, %dma_wait3A_91] : memref<128x128xf32, #tpu.memory_space<vmem>> -> memref<120x128xf32, #tpu.memory_space<vmem>>
      %dma_wait3A_93 = arith.constant 0 : i32
      %dma_wait3A_94 = tpu.memref_slice %arg11[%add3A_74, %dma_wait3A_93] : memref<10112x128xf32, #tpu.memory_space<vmem_shared>> -> memref<120x128xf32, #tpu.memory_space<vmem_shared>>
      %dma_wait3A_95 = arith.constant 0 : i32
      %dma_wait3A_96 = tpu.memref_slice %arg11[%add3A_74, %dma_wait3A_95] : memref<10112x128xf32, #tpu.memory_space<vmem_shared>> -> memref<120x128xf32, #tpu.memory_space<vmem_shared>>
      %dma_wait3A_97 = arith.constant 0 : i32
      %dma_wait3A_98 = arith.constant 0 : i32
      %dma_wait3A_99 = tpu.memref_slice %arg9[%dma_wait3A_97, %dma_wait3A_98] : memref<128x128xf32, #tpu.memory_space<vmem>> -> memref<120x128xf32, #tpu.memory_space<vmem>>
      tpu.wait_dma2 semaphore(%run_scoped3A : memref<!tpu.dma_semaphore, #tpu.memory_space<semaphore_mem>>) src(%dma_wait3A_99 : memref<120x128xf32, #tpu.memory_space<vmem>>) dst(%dma_wait3A_96 : memref<120x128xf32, #tpu.memory_space<vmem_shared>>)
      tpu.yield
    }) : () -> ()
    %barrier3A = arith.constant 0 : index
    tpu.barrier barrier_id(%barrier3A)
    %scan3A_75 = arith.constant 0 : i32
    %scan3A_76 = arith.constant 0 : i32
    %scan3A_77 = arith.constant 10 : i32
    %scan3A_78 = arith.addi %scan3A_76, %scan3A_77 : i32
    %scan3A_79 = arith.constant 1 : i32
    scf.for %scan3A_82 = %scan3A_76 to %scan3A_78 step %scan3A_79  : i32 {
      "tpu.region"() ({
        %run_scoped3A = tpu.sem_alloc : memref<!tpu.dma_semaphore, #tpu.memory_space<semaphore_mem>>
        %dma_start3A_289 = arith.constant 0 : i32
        %dma_start3A_290 = arith.constant 0 : i32
        %dma_start3A_291 = tpu.memref_slice %arg3[%arg0, %arg1, %scan3A_82, %dma_start3A_289, %dma_start3A_290] : memref<2x16x10x8x128xi32, #tpu.memory_space<hbm>> -> memref<1x1x1x8x128xi32, #tpu.memory_space<hbm>>
        %dma_start3A_292 = tpu.memref_squeeze %dma_start3A_291 : memref<1x1x1x8x128xi32, #tpu.memory_space<hbm>> -> memref<8x128xi32, #tpu.memory_space<hbm>>
        %dma_start3A_293 = arith.constant 0 : i32
        %dma_start3A_294 = arith.constant 0 : i32
        %dma_start3A_295 = tpu.memref_slice %arg3[%arg0, %arg1, %scan3A_82, %dma_start3A_293, %dma_start3A_294] : memref<2x16x10x8x128xi32, #tpu.memory_space<hbm>> -> memref<1x1x1x8x128xi32, #tpu.memory_space<hbm>>
        %dma_start3A_296 = tpu.memref_squeeze %dma_start3A_295 : memref<1x1x1x8x128xi32, #tpu.memory_space<hbm>> -> memref<8x128xi32, #tpu.memory_space<hbm>>
        tpu.enqueue_dma source(%dma_start3A_296 : memref<8x128xi32, #tpu.memory_space<hbm>>) target(%arg6 : memref<8x128xi32, #tpu.memory_space<vmem>>) target_semaphore(%run_scoped3A : memref<!tpu.dma_semaphore, #tpu.memory_space<semaphore_mem>>)
        %dma_wait3A_297 = arith.constant 0 : i32
        %dma_wait3A_298 = arith.constant 0 : i32
        %dma_wait3A_299 = tpu.memref_slice %arg3[%arg0, %arg1, %scan3A_82, %dma_wait3A_297, %dma_wait3A_298] : memref<2x16x10x8x128xi32, #tpu.memory_space<hbm>> -> memref<1x1x1x8x128xi32, #tpu.memory_space<hbm>>
        %dma_wait3A_300 = tpu.memref_squeeze %dma_wait3A_299 : memref<1x1x1x8x128xi32, #tpu.memory_space<hbm>> -> memref<8x128xi32, #tpu.memory_space<hbm>>
        %dma_wait3A_301 = arith.constant 0 : i32
        %dma_wait3A_302 = arith.constant 0 : i32
        %dma_wait3A_303 = tpu.memref_slice %arg3[%arg0, %arg1, %scan3A_82, %dma_wait3A_301, %dma_wait3A_302] : memref<2x16x10x8x128xi32, #tpu.memory_space<hbm>> -> memref<1x1x1x8x128xi32, #tpu.memory_space<hbm>>
        %dma_wait3A_304 = tpu.memref_squeeze %dma_wait3A_303 : memref<1x1x1x8x128xi32, #tpu.memory_space<hbm>> -> memref<8x128xi32, #tpu.memory_space<hbm>>
        tpu.wait_dma2 semaphore(%run_scoped3A : memref<!tpu.dma_semaphore, #tpu.memory_space<semaphore_mem>>) src(%dma_wait3A_304 : memref<8x128xi32, #tpu.memory_space<hbm>>) dst(%arg6 : memref<8x128xi32, #tpu.memory_space<vmem>>)
        tpu.yield
      }) : () -> ()
      "tpu.region"() ({
        %run_scoped3A = tpu.sem_alloc : memref<!tpu.dma_semaphore, #tpu.memory_space<semaphore_mem>>
        %dma_start3A_289 = arith.constant 0 : i32
        %dma_start3A_290 = arith.constant 0 : i32
        %dma_start3A_291 = tpu.memref_slice %arg4[%arg0, %arg1, %scan3A_82, %dma_start3A_289, %dma_start3A_290] : memref<2x16x10x8x128xi32, #tpu.memory_space<hbm>> -> memref<1x1x1x8x128xi32, #tpu.memory_space<hbm>>
        %dma_start3A_292 = tpu.memref_squeeze %dma_start3A_291 : memref<1x1x1x8x128xi32, #tpu.memory_space<hbm>> -> memref<8x128xi32, #tpu.memory_space<hbm>>
        %dma_start3A_293 = arith.constant 0 : i32
        %dma_start3A_294 = arith.constant 0 : i32
        %dma_start3A_295 = tpu.memref_slice %arg4[%arg0, %arg1, %scan3A_82, %dma_start3A_293, %dma_start3A_294] : memref<2x16x10x8x128xi32, #tpu.memory_space<hbm>> -> memref<1x1x1x8x128xi32, #tpu.memory_space<hbm>>
        %dma_start3A_296 = tpu.memref_squeeze %dma_start3A_295 : memref<1x1x1x8x128xi32, #tpu.memory_space<hbm>> -> memref<8x128xi32, #tpu.memory_space<hbm>>
        tpu.enqueue_dma source(%dma_start3A_296 : memref<8x128xi32, #tpu.memory_space<hbm>>) target(%arg7 : memref<8x128xi32, #tpu.memory_space<vmem>>) target_semaphore(%run_scoped3A : memref<!tpu.dma_semaphore, #tpu.memory_space<semaphore_mem>>)
        %dma_wait3A_297 = arith.constant 0 : i32
        %dma_wait3A_298 = arith.constant 0 : i32
        %dma_wait3A_299 = tpu.memref_slice %arg4[%arg0, %arg1, %scan3A_82, %dma_wait3A_297, %dma_wait3A_298] : memref<2x16x10x8x128xi32, #tpu.memory_space<hbm>> -> memref<1x1x1x8x128xi32, #tpu.memory_space<hbm>>
        %dma_wait3A_300 = tpu.memref_squeeze %dma_wait3A_299 : memref<1x1x1x8x128xi32, #tpu.memory_space<hbm>> -> memref<8x128xi32, #tpu.memory_space<hbm>>
        %dma_wait3A_301 = arith.constant 0 : i32
        %dma_wait3A_302 = arith.constant 0 : i32
        %dma_wait3A_303 = tpu.memref_slice %arg4[%arg0, %arg1, %scan3A_82, %dma_wait3A_301, %dma_wait3A_302] : memref<2x16x10x8x128xi32, #tpu.memory_space<hbm>> -> memref<1x1x1x8x128xi32, #tpu.memory_space<hbm>>
        %dma_wait3A_304 = tpu.memref_squeeze %dma_wait3A_303 : memref<1x1x1x8x128xi32, #tpu.memory_space<hbm>> -> memref<8x128xi32, #tpu.memory_space<hbm>>
        tpu.wait_dma2 semaphore(%run_scoped3A : memref<!tpu.dma_semaphore, #tpu.memory_space<semaphore_mem>>) src(%dma_wait3A_304 : memref<8x128xi32, #tpu.memory_space<hbm>>) dst(%arg7 : memref<8x128xi32, #tpu.memory_space<vmem>>)
        tpu.yield
      }) : () -> ()
      %dma_start3A = arith.constant 0 : i32
      %dma_start3A_83 = arith.constant 0 : i32
      %dma_start3A_84 = tpu.memref_slice %arg6[%dma_start3A, %dma_start3A_83] : memref<8x128xi32, #tpu.memory_space<vmem>> -> memref<1x128xi32, #tpu.memory_space<vmem>>
      %dma_start3A_85 = tpu.memref_squeeze %dma_start3A_84 : memref<1x128xi32, #tpu.memory_space<vmem>> -> memref<128xi32, #tpu.memory_space<vmem>>
      %dma_start3A_86 = arith.constant 0 : i32
      %dma_start3A_87 = arith.constant 0 : i32
      %dma_start3A_88 = tpu.memref_slice %arg2[%dma_start3A_86, %dma_start3A_87] : memref<10000x128xf32, #tpu.memory_space<hbm>> -> memref<10000x128xf32, #tpu.memory_space<hbm>>
      tpu.enqueue_indirect_dma source(%dma_start3A_88 : memref<10000x128xf32, #tpu.memory_space<hbm>>) target(%arg9 : memref<128x128xf32, #tpu.memory_space<vmem>>) offsets(%dma_start3A_85 : memref<128xi32, #tpu.memory_space<vmem>>) semaphore(%arg12 : memref<!tpu.dma_semaphore, #tpu.memory_space<semaphore_mem>>)
      %dma_start3A_89 = arith.constant 1 : i32
      %dma_start3A_90 = arith.constant 0 : i32
      %dma_start3A_91 = tpu.memref_slice %arg6[%dma_start3A_89, %dma_start3A_90] : memref<8x128xi32, #tpu.memory_space<vmem>> -> memref<1x128xi32, #tpu.memory_space<vmem>>
      %dma_start3A_92 = tpu.memref_squeeze %dma_start3A_91 : memref<1x128xi32, #tpu.memory_space<vmem>> -> memref<128xi32, #tpu.memory_space<vmem>>
      %dma_start3A_93 = arith.constant 0 : i32
      %dma_start3A_94 = arith.constant 0 : i32
      %dma_start3A_95 = tpu.memref_slice %arg2[%dma_start3A_93, %dma_start3A_94] : memref<10000x128xf32, #tpu.memory_space<hbm>> -> memref<10000x128xf32, #tpu.memory_space<hbm>>
      tpu.enqueue_indirect_dma source(%dma_start3A_95 : memref<10000x128xf32, #tpu.memory_space<hbm>>) target(%arg10 : memref<128x128xf32, #tpu.memory_space<vmem>>) offsets(%dma_start3A_92 : memref<128xi32, #tpu.memory_space<vmem>>) semaphore(%arg13 : memref<!tpu.dma_semaphore, #tpu.memory_space<semaphore_mem>>)
      %dma_wait3A = arith.constant 0 : i32
      %dma_wait3A_96 = arith.constant 0 : i32
      %dma_wait3A_97 = tpu.memref_slice %arg2[%dma_wait3A, %dma_wait3A_96] : memref<10000x128xf32, #tpu.memory_space<hbm>> -> memref<128x128xf32, #tpu.memory_space<hbm>>
      %dma_wait3A_98 = arith.constant 0 : i32
      %dma_wait3A_99 = arith.constant 0 : i32
      %dma_wait3A_100 = tpu.memref_slice %arg2[%dma_wait3A_98, %dma_wait3A_99] : memref<10000x128xf32, #tpu.memory_space<hbm>> -> memref<128x128xf32, #tpu.memory_space<hbm>>
      tpu.wait_dma2 semaphore(%arg12 : memref<!tpu.dma_semaphore, #tpu.memory_space<semaphore_mem>>) src(%dma_wait3A_100 : memref<128x128xf32, #tpu.memory_space<hbm>>) dst(%arg9 : memref<128x128xf32, #tpu.memory_space<vmem>>)
      %dma_start3A_101 = arith.constant 0 : i32
      %dma_start3A_102 = arith.constant 0 : i32
      %dma_start3A_103 = tpu.memref_slice %arg7[%dma_start3A_101, %dma_start3A_102] : memref<8x128xi32, #tpu.memory_space<vmem>> -> memref<1x128xi32, #tpu.memory_space<vmem>>
      %dma_start3A_104 = tpu.memref_squeeze %dma_start3A_103 : memref<1x128xi32, #tpu.memory_space<vmem>> -> memref<128xi32, #tpu.memory_space<vmem>>
      %dma_start3A_105 = arith.constant 0 : i32
      %dma_start3A_106 = arith.constant 0 : i32
      %dma_start3A_107 = tpu.memref_slice %arg11[%dma_start3A_105, %dma_start3A_106] : memref<10112x128xf32, #tpu.memory_space<vmem_shared>> -> memref<10112x128xf32, #tpu.memory_space<vmem_shared>>
      tpu.enqueue_indirect_dma source(%arg9 : memref<128x128xf32, #tpu.memory_space<vmem>>) target(%dma_start3A_107 : memref<10112x128xf32, #tpu.memory_space<vmem_shared>>) offsets(%dma_start3A_104 : memref<128xi32, #tpu.memory_space<vmem>>) semaphore(%arg14 : memref<!tpu.dma_semaphore, #tpu.memory_space<semaphore_mem>>) {add = true}
      %dma_wait3A_108 = arith.constant 0 : i32
      %dma_wait3A_109 = arith.constant 0 : i32
      %dma_wait3A_110 = tpu.memref_slice %arg2[%dma_wait3A_108, %dma_wait3A_109] : memref<10000x128xf32, #tpu.memory_space<hbm>> -> memref<128x128xf32, #tpu.memory_space<hbm>>
      %dma_wait3A_111 = arith.constant 0 : i32
      %dma_wait3A_112 = arith.constant 0 : i32
      %dma_wait3A_113 = tpu.memref_slice %arg2[%dma_wait3A_111, %dma_wait3A_112] : memref<10000x128xf32, #tpu.memory_space<hbm>> -> memref<128x128xf32, #tpu.memory_space<hbm>>
      tpu.wait_dma2 semaphore(%arg14 : memref<!tpu.dma_semaphore, #tpu.memory_space<semaphore_mem>>) src(%dma_wait3A_113 : memref<128x128xf32, #tpu.memory_space<hbm>>) dst(%arg9 : memref<128x128xf32, #tpu.memory_space<vmem>>)
      %dma_start3A_114 = arith.constant 2 : i32
      %dma_start3A_115 = arith.constant 0 : i32
      %dma_start3A_116 = tpu.memref_slice %arg6[%dma_start3A_114, %dma_start3A_115] : memref<8x128xi32, #tpu.memory_space<vmem>> -> memref<1x128xi32, #tpu.memory_space<vmem>>
      %dma_start3A_117 = tpu.memref_squeeze %dma_start3A_116 : memref<1x128xi32, #tpu.memory_space<vmem>> -> memref<128xi32, #tpu.memory_space<vmem>>
      %dma_start3A_118 = arith.constant 0 : i32
      %dma_start3A_119 = arith.constant 0 : i32
      %dma_start3A_120 = tpu.memref_slice %arg2[%dma_start3A_118, %dma_start3A_119] : memref<10000x128xf32, #tpu.memory_space<hbm>> -> memref<10000x128xf32, #tpu.memory_space<hbm>>
      tpu.enqueue_indirect_dma source(%dma_start3A_120 : memref<10000x128xf32, #tpu.memory_space<hbm>>) target(%arg9 : memref<128x128xf32, #tpu.memory_space<vmem>>) offsets(%dma_start3A_117 : memref<128xi32, #tpu.memory_space<vmem>>) semaphore(%arg12 : memref<!tpu.dma_semaphore, #tpu.memory_space<semaphore_mem>>)
      %dma_wait3A_121 = arith.constant 0 : i32
      %dma_wait3A_122 = arith.constant 0 : i32
      %dma_wait3A_123 = tpu.memref_slice %arg2[%dma_wait3A_121, %dma_wait3A_122] : memref<10000x128xf32, #tpu.memory_space<hbm>> -> memref<128x128xf32, #tpu.memory_space<hbm>>
      %dma_wait3A_124 = arith.constant 0 : i32
      %dma_wait3A_125 = arith.constant 0 : i32
      %dma_wait3A_126 = tpu.memref_slice %arg2[%dma_wait3A_124, %dma_wait3A_125] : memref<10000x128xf32, #tpu.memory_space<hbm>> -> memref<128x128xf32, #tpu.memory_space<hbm>>
      tpu.wait_dma2 semaphore(%arg13 : memref<!tpu.dma_semaphore, #tpu.memory_space<semaphore_mem>>) src(%dma_wait3A_126 : memref<128x128xf32, #tpu.memory_space<hbm>>) dst(%arg10 : memref<128x128xf32, #tpu.memory_space<vmem>>)
      %dma_start3A_127 = arith.constant 1 : i32
      %dma_start3A_128 = arith.constant 0 : i32
      %dma_start3A_129 = tpu.memref_slice %arg7[%dma_start3A_127, %dma_start3A_128] : memref<8x128xi32, #tpu.memory_space<vmem>> -> memref<1x128xi32, #tpu.memory_space<vmem>>
      %dma_start3A_130 = tpu.memref_squeeze %dma_start3A_129 : memref<1x128xi32, #tpu.memory_space<vmem>> -> memref<128xi32, #tpu.memory_space<vmem>>
      %dma_start3A_131 = arith.constant 0 : i32
      %dma_start3A_132 = arith.constant 0 : i32
      %dma_start3A_133 = tpu.memref_slice %arg11[%dma_start3A_131, %dma_start3A_132] : memref<10112x128xf32, #tpu.memory_space<vmem_shared>> -> memref<10112x128xf32, #tpu.memory_space<vmem_shared>>
      tpu.enqueue_indirect_dma source(%arg10 : memref<128x128xf32, #tpu.memory_space<vmem>>) target(%dma_start3A_133 : memref<10112x128xf32, #tpu.memory_space<vmem_shared>>) offsets(%dma_start3A_130 : memref<128xi32, #tpu.memory_space<vmem>>) semaphore(%arg15 : memref<!tpu.dma_semaphore, #tpu.memory_space<semaphore_mem>>) {add = true}
      %dma_wait3A_134 = arith.constant 0 : i32
      %dma_wait3A_135 = arith.constant 0 : i32
      %dma_wait3A_136 = tpu.memref_slice %arg2[%dma_wait3A_134, %dma_wait3A_135] : memref<10000x128xf32, #tpu.memory_space<hbm>> -> memref<128x128xf32, #tpu.memory_space<hbm>>
      %dma_wait3A_137 = arith.constant 0 : i32
      %dma_wait3A_138 = arith.constant 0 : i32
      %dma_wait3A_139 = tpu.memref_slice %arg2[%dma_wait3A_137, %dma_wait3A_138] : memref<10000x128xf32, #tpu.memory_space<hbm>> -> memref<128x128xf32, #tpu.memory_space<hbm>>
      tpu.wait_dma2 semaphore(%arg15 : memref<!tpu.dma_semaphore, #tpu.memory_space<semaphore_mem>>) src(%dma_wait3A_139 : memref<128x128xf32, #tpu.memory_space<hbm>>) dst(%arg10 : memref<128x128xf32, #tpu.memory_space<vmem>>)
      %dma_start3A_140 = arith.constant 3 : i32
      %dma_start3A_141 = arith.constant 0 : i32
      %dma_start3A_142 = tpu.memref_slice %arg6[%dma_start3A_140, %dma_start3A_141] : memref<8x128xi32, #tpu.memory_space<vmem>> -> memref<1x128xi32, #tpu.memory_space<vmem>>
      %dma_start3A_143 = tpu.memref_squeeze %dma_start3A_142 : memref<1x128xi32, #tpu.memory_space<vmem>> -> memref<128xi32, #tpu.memory_space<vmem>>
      %dma_start3A_144 = arith.constant 0 : i32
      %dma_start3A_145 = arith.constant 0 : i32
      %dma_start3A_146 = tpu.memref_slice %arg2[%dma_start3A_144, %dma_start3A_145] : memref<10000x128xf32, #tpu.memory_space<hbm>> -> memref<10000x128xf32, #tpu.memory_space<hbm>>
      tpu.enqueue_indirect_dma source(%dma_start3A_146 : memref<10000x128xf32, #tpu.memory_space<hbm>>) target(%arg10 : memref<128x128xf32, #tpu.memory_space<vmem>>) offsets(%dma_start3A_143 : memref<128xi32, #tpu.memory_space<vmem>>) semaphore(%arg13 : memref<!tpu.dma_semaphore, #tpu.memory_space<semaphore_mem>>)
      %dma_wait3A_147 = arith.constant 0 : i32
      %dma_wait3A_148 = arith.constant 0 : i32
      %dma_wait3A_149 = tpu.memref_slice %arg2[%dma_wait3A_147, %dma_wait3A_148] : memref<10000x128xf32, #tpu.memory_space<hbm>> -> memref<128x128xf32, #tpu.memory_space<hbm>>
      %dma_wait3A_150 = arith.constant 0 : i32
      %dma_wait3A_151 = arith.constant 0 : i32
      %dma_wait3A_152 = tpu.memref_slice %arg2[%dma_wait3A_150, %dma_wait3A_151] : memref<10000x128xf32, #tpu.memory_space<hbm>> -> memref<128x128xf32, #tpu.memory_space<hbm>>
      tpu.wait_dma2 semaphore(%arg12 : memref<!tpu.dma_semaphore, #tpu.memory_space<semaphore_mem>>) src(%dma_wait3A_152 : memref<128x128xf32, #tpu.memory_space<hbm>>) dst(%arg9 : memref<128x128xf32, #tpu.memory_space<vmem>>)
      %dma_start3A_153 = arith.constant 2 : i32
      %dma_start3A_154 = arith.constant 0 : i32
      %dma_start3A_155 = tpu.memref_slice %arg7[%dma_start3A_153, %dma_start3A_154] : memref<8x128xi32, #tpu.memory_space<vmem>> -> memref<1x128xi32, #tpu.memory_space<vmem>>
      %dma_start3A_156 = tpu.memref_squeeze %dma_start3A_155 : memref<1x128xi32, #tpu.memory_space<vmem>> -> memref<128xi32, #tpu.memory_space<vmem>>
      %dma_start3A_157 = arith.constant 0 : i32
      %dma_start3A_158 = arith.constant 0 : i32
      %dma_start3A_159 = tpu.memref_slice %arg11[%dma_start3A_157, %dma_start3A_158] : memref<10112x128xf32, #tpu.memory_space<vmem_shared>> -> memref<10112x128xf32, #tpu.memory_space<vmem_shared>>
      tpu.enqueue_indirect_dma source(%arg9 : memref<128x128xf32, #tpu.memory_space<vmem>>) target(%dma_start3A_159 : memref<10112x128xf32, #tpu.memory_space<vmem_shared>>) offsets(%dma_start3A_156 : memref<128xi32, #tpu.memory_space<vmem>>) semaphore(%arg14 : memref<!tpu.dma_semaphore, #tpu.memory_space<semaphore_mem>>) {add = true}
      %dma_wait3A_160 = arith.constant 0 : i32
      %dma_wait3A_161 = arith.constant 0 : i32
      %dma_wait3A_162 = tpu.memref_slice %arg2[%dma_wait3A_160, %dma_wait3A_161] : memref<10000x128xf32, #tpu.memory_space<hbm>> -> memref<128x128xf32, #tpu.memory_space<hbm>>
      %dma_wait3A_163 = arith.constant 0 : i32
      %dma_wait3A_164 = arith.constant 0 : i32
      %dma_wait3A_165 = tpu.memref_slice %arg2[%dma_wait3A_163, %dma_wait3A_164] : memref<10000x128xf32, #tpu.memory_space<hbm>> -> memref<128x128xf32, #tpu.memory_space<hbm>>
      tpu.wait_dma2 semaphore(%arg14 : memref<!tpu.dma_semaphore, #tpu.memory_space<semaphore_mem>>) src(%dma_wait3A_165 : memref<128x128xf32, #tpu.memory_space<hbm>>) dst(%arg9 : memref<128x128xf32, #tpu.memory_space<vmem>>)
      %dma_start3A_166 = arith.constant 4 : i32
      %dma_start3A_167 = arith.constant 0 : i32
      %dma_start3A_168 = tpu.memref_slice %arg6[%dma_start3A_166, %dma_start3A_167] : memref<8x128xi32, #tpu.memory_space<vmem>> -> memref<1x128xi32, #tpu.memory_space<vmem>>
      %dma_start3A_169 = tpu.memref_squeeze %dma_start3A_168 : memref<1x128xi32, #tpu.memory_space<vmem>> -> memref<128xi32, #tpu.memory_space<vmem>>
      %dma_start3A_170 = arith.constant 0 : i32
      %dma_start3A_171 = arith.constant 0 : i32
      %dma_start3A_172 = tpu.memref_slice %arg2[%dma_start3A_170, %dma_start3A_171] : memref<10000x128xf32, #tpu.memory_space<hbm>> -> memref<10000x128xf32, #tpu.memory_space<hbm>>
      tpu.enqueue_indirect_dma source(%dma_start3A_172 : memref<10000x128xf32, #tpu.memory_space<hbm>>) target(%arg9 : memref<128x128xf32, #tpu.memory_space<vmem>>) offsets(%dma_start3A_169 : memref<128xi32, #tpu.memory_space<vmem>>) semaphore(%arg12 : memref<!tpu.dma_semaphore, #tpu.memory_space<semaphore_mem>>)
      %dma_wait3A_173 = arith.constant 0 : i32
      %dma_wait3A_174 = arith.constant 0 : i32
      %dma_wait3A_175 = tpu.memref_slice %arg2[%dma_wait3A_173, %dma_wait3A_174] : memref<10000x128xf32, #tpu.memory_space<hbm>> -> memref<128x128xf32, #tpu.memory_space<hbm>>
      %dma_wait3A_176 = arith.constant 0 : i32
      %dma_wait3A_177 = arith.constant 0 : i32
      %dma_wait3A_178 = tpu.memref_slice %arg2[%dma_wait3A_176, %dma_wait3A_177] : memref<10000x128xf32, #tpu.memory_space<hbm>> -> memref<128x128xf32, #tpu.memory_space<hbm>>
      tpu.wait_dma2 semaphore(%arg13 : memref<!tpu.dma_semaphore, #tpu.memory_space<semaphore_mem>>) src(%dma_wait3A_178 : memref<128x128xf32, #tpu.memory_space<hbm>>) dst(%arg10 : memref<128x128xf32, #tpu.memory_space<vmem>>)
      %dma_start3A_179 = arith.constant 3 : i32
      %dma_start3A_180 = arith.constant 0 : i32
      %dma_start3A_181 = tpu.memref_slice %arg7[%dma_start3A_179, %dma_start3A_180] : memref<8x128xi32, #tpu.memory_space<vmem>> -> memref<1x128xi32, #tpu.memory_space<vmem>>
      %dma_start3A_182 = tpu.memref_squeeze %dma_start3A_181 : memref<1x128xi32, #tpu.memory_space<vmem>> -> memref<128xi32, #tpu.memory_space<vmem>>
      %dma_start3A_183 = arith.constant 0 : i32
      %dma_start3A_184 = arith.constant 0 : i32
      %dma_start3A_185 = tpu.memref_slice %arg11[%dma_start3A_183, %dma_start3A_184] : memref<10112x128xf32, #tpu.memory_space<vmem_shared>> -> memref<10112x128xf32, #tpu.memory_space<vmem_shared>>
      tpu.enqueue_indirect_dma source(%arg10 : memref<128x128xf32, #tpu.memory_space<vmem>>) target(%dma_start3A_185 : memref<10112x128xf32, #tpu.memory_space<vmem_shared>>) offsets(%dma_start3A_182 : memref<128xi32, #tpu.memory_space<vmem>>) semaphore(%arg15 : memref<!tpu.dma_semaphore, #tpu.memory_space<semaphore_mem>>) {add = true}
      %dma_wait3A_186 = arith.constant 0 : i32
      %dma_wait3A_187 = arith.constant 0 : i32
      %dma_wait3A_188 = tpu.memref_slice %arg2[%dma_wait3A_186, %dma_wait3A_187] : memref<10000x128xf32, #tpu.memory_space<hbm>> -> memref<128x128xf32, #tpu.memory_space<hbm>>
      %dma_wait3A_189 = arith.constant 0 : i32
      %dma_wait3A_190 = arith.constant 0 : i32
      %dma_wait3A_191 = tpu.memref_slice %arg2[%dma_wait3A_189, %dma_wait3A_190] : memref<10000x128xf32, #tpu.memory_space<hbm>> -> memref<128x128xf32, #tpu.memory_space<hbm>>
      tpu.wait_dma2 semaphore(%arg15 : memref<!tpu.dma_semaphore, #tpu.memory_space<semaphore_mem>>) src(%dma_wait3A_191 : memref<128x128xf32, #tpu.memory_space<hbm>>) dst(%arg10 : memref<128x128xf32, #tpu.memory_space<vmem>>)
      %dma_start3A_192 = arith.constant 5 : i32
      %dma_start3A_193 = arith.constant 0 : i32
      %dma_start3A_194 = tpu.memref_slice %arg6[%dma_start3A_192, %dma_start3A_193] : memref<8x128xi32, #tpu.memory_space<vmem>> -> memref<1x128xi32, #tpu.memory_space<vmem>>
      %dma_start3A_195 = tpu.memref_squeeze %dma_start3A_194 : memref<1x128xi32, #tpu.memory_space<vmem>> -> memref<128xi32, #tpu.memory_space<vmem>>
      %dma_start3A_196 = arith.constant 0 : i32
      %dma_start3A_197 = arith.constant 0 : i32
      %dma_start3A_198 = tpu.memref_slice %arg2[%dma_start3A_196, %dma_start3A_197] : memref<10000x128xf32, #tpu.memory_space<hbm>> -> memref<10000x128xf32, #tpu.memory_space<hbm>>
      tpu.enqueue_indirect_dma source(%dma_start3A_198 : memref<10000x128xf32, #tpu.memory_space<hbm>>) target(%arg10 : memref<128x128xf32, #tpu.memory_space<vmem>>) offsets(%dma_start3A_195 : memref<128xi32, #tpu.memory_space<vmem>>) semaphore(%arg13 : memref<!tpu.dma_semaphore, #tpu.memory_space<semaphore_mem>>)
      %dma_wait3A_199 = arith.constant 0 : i32
      %dma_wait3A_200 = arith.constant 0 : i32
      %dma_wait3A_201 = tpu.memref_slice %arg2[%dma_wait3A_199, %dma_wait3A_200] : memref<10000x128xf32, #tpu.memory_space<hbm>> -> memref<128x128xf32, #tpu.memory_space<hbm>>
      %dma_wait3A_202 = arith.constant 0 : i32
      %dma_wait3A_203 = arith.constant 0 : i32
      %dma_wait3A_204 = tpu.memref_slice %arg2[%dma_wait3A_202, %dma_wait3A_203] : memref<10000x128xf32, #tpu.memory_space<hbm>> -> memref<128x128xf32, #tpu.memory_space<hbm>>
      tpu.wait_dma2 semaphore(%arg12 : memref<!tpu.dma_semaphore, #tpu.memory_space<semaphore_mem>>) src(%dma_wait3A_204 : memref<128x128xf32, #tpu.memory_space<hbm>>) dst(%arg9 : memref<128x128xf32, #tpu.memory_space<vmem>>)
      %dma_start3A_205 = arith.constant 4 : i32
      %dma_start3A_206 = arith.constant 0 : i32
      %dma_start3A_207 = tpu.memref_slice %arg7[%dma_start3A_205, %dma_start3A_206] : memref<8x128xi32, #tpu.memory_space<vmem>> -> memref<1x128xi32, #tpu.memory_space<vmem>>
      %dma_start3A_208 = tpu.memref_squeeze %dma_start3A_207 : memref<1x128xi32, #tpu.memory_space<vmem>> -> memref<128xi32, #tpu.memory_space<vmem>>
      %dma_start3A_209 = arith.constant 0 : i32
      %dma_start3A_210 = arith.constant 0 : i32
      %dma_start3A_211 = tpu.memref_slice %arg11[%dma_start3A_209, %dma_start3A_210] : memref<10112x128xf32, #tpu.memory_space<vmem_shared>> -> memref<10112x128xf32, #tpu.memory_space<vmem_shared>>
      tpu.enqueue_indirect_dma source(%arg9 : memref<128x128xf32, #tpu.memory_space<vmem>>) target(%dma_start3A_211 : memref<10112x128xf32, #tpu.memory_space<vmem_shared>>) offsets(%dma_start3A_208 : memref<128xi32, #tpu.memory_space<vmem>>) semaphore(%arg14 : memref<!tpu.dma_semaphore, #tpu.memory_space<semaphore_mem>>) {add = true}
      %dma_wait3A_212 = arith.constant 0 : i32
      %dma_wait3A_213 = arith.constant 0 : i32
      %dma_wait3A_214 = tpu.memref_slice %arg2[%dma_wait3A_212, %dma_wait3A_213] : memref<10000x128xf32, #tpu.memory_space<hbm>> -> memref<128x128xf32, #tpu.memory_space<hbm>>
      %dma_wait3A_215 = arith.constant 0 : i32
      %dma_wait3A_216 = arith.constant 0 : i32
      %dma_wait3A_217 = tpu.memref_slice %arg2[%dma_wait3A_215, %dma_wait3A_216] : memref<10000x128xf32, #tpu.memory_space<hbm>> -> memref<128x128xf32, #tpu.memory_space<hbm>>
      tpu.wait_dma2 semaphore(%arg14 : memref<!tpu.dma_semaphore, #tpu.memory_space<semaphore_mem>>) src(%dma_wait3A_217 : memref<128x128xf32, #tpu.memory_space<hbm>>) dst(%arg9 : memref<128x128xf32, #tpu.memory_space<vmem>>)
      %dma_start3A_218 = arith.constant 6 : i32
      %dma_start3A_219 = arith.constant 0 : i32
      %dma_start3A_220 = tpu.memref_slice %arg6[%dma_start3A_218, %dma_start3A_219] : memref<8x128xi32, #tpu.memory_space<vmem>> -> memref<1x128xi32, #tpu.memory_space<vmem>>
      %dma_start3A_221 = tpu.memref_squeeze %dma_start3A_220 : memref<1x128xi32, #tpu.memory_space<vmem>> -> memref<128xi32, #tpu.memory_space<vmem>>
      %dma_start3A_222 = arith.constant 0 : i32
      %dma_start3A_223 = arith.constant 0 : i32
      %dma_start3A_224 = tpu.memref_slice %arg2[%dma_start3A_222, %dma_start3A_223] : memref<10000x128xf32, #tpu.memory_space<hbm>> -> memref<10000x128xf32, #tpu.memory_space<hbm>>
      tpu.enqueue_indirect_dma source(%dma_start3A_224 : memref<10000x128xf32, #tpu.memory_space<hbm>>) target(%arg9 : memref<128x128xf32, #tpu.memory_space<vmem>>) offsets(%dma_start3A_221 : memref<128xi32, #tpu.memory_space<vmem>>) semaphore(%arg12 : memref<!tpu.dma_semaphore, #tpu.memory_space<semaphore_mem>>)
      %dma_wait3A_225 = arith.constant 0 : i32
      %dma_wait3A_226 = arith.constant 0 : i32
      %dma_wait3A_227 = tpu.memref_slice %arg2[%dma_wait3A_225, %dma_wait3A_226] : memref<10000x128xf32, #tpu.memory_space<hbm>> -> memref<128x128xf32, #tpu.memory_space<hbm>>
      %dma_wait3A_228 = arith.constant 0 : i32
      %dma_wait3A_229 = arith.constant 0 : i32
      %dma_wait3A_230 = tpu.memref_slice %arg2[%dma_wait3A_228, %dma_wait3A_229] : memref<10000x128xf32, #tpu.memory_space<hbm>> -> memref<128x128xf32, #tpu.memory_space<hbm>>
      tpu.wait_dma2 semaphore(%arg13 : memref<!tpu.dma_semaphore, #tpu.memory_space<semaphore_mem>>) src(%dma_wait3A_230 : memref<128x128xf32, #tpu.memory_space<hbm>>) dst(%arg10 : memref<128x128xf32, #tpu.memory_space<vmem>>)
      %dma_start3A_231 = arith.constant 5 : i32
      %dma_start3A_232 = arith.constant 0 : i32
      %dma_start3A_233 = tpu.memref_slice %arg7[%dma_start3A_231, %dma_start3A_232] : memref<8x128xi32, #tpu.memory_space<vmem>> -> memref<1x128xi32, #tpu.memory_space<vmem>>
      %dma_start3A_234 = tpu.memref_squeeze %dma_start3A_233 : memref<1x128xi32, #tpu.memory_space<vmem>> -> memref<128xi32, #tpu.memory_space<vmem>>
      %dma_start3A_235 = arith.constant 0 : i32
      %dma_start3A_236 = arith.constant 0 : i32
      %dma_start3A_237 = tpu.memref_slice %arg11[%dma_start3A_235, %dma_start3A_236] : memref<10112x128xf32, #tpu.memory_space<vmem_shared>> -> memref<10112x128xf32, #tpu.memory_space<vmem_shared>>
      tpu.enqueue_indirect_dma source(%arg10 : memref<128x128xf32, #tpu.memory_space<vmem>>) target(%dma_start3A_237 : memref<10112x128xf32, #tpu.memory_space<vmem_shared>>) offsets(%dma_start3A_234 : memref<128xi32, #tpu.memory_space<vmem>>) semaphore(%arg15 : memref<!tpu.dma_semaphore, #tpu.memory_space<semaphore_mem>>) {add = true}
      %dma_wait3A_238 = arith.constant 0 : i32
      %dma_wait3A_239 = arith.constant 0 : i32
      %dma_wait3A_240 = tpu.memref_slice %arg2[%dma_wait3A_238, %dma_wait3A_239] : memref<10000x128xf32, #tpu.memory_space<hbm>> -> memref<128x128xf32, #tpu.memory_space<hbm>>
      %dma_wait3A_241 = arith.constant 0 : i32
      %dma_wait3A_242 = arith.constant 0 : i32
      %dma_wait3A_243 = tpu.memref_slice %arg2[%dma_wait3A_241, %dma_wait3A_242] : memref<10000x128xf32, #tpu.memory_space<hbm>> -> memref<128x128xf32, #tpu.memory_space<hbm>>
      tpu.wait_dma2 semaphore(%arg15 : memref<!tpu.dma_semaphore, #tpu.memory_space<semaphore_mem>>) src(%dma_wait3A_243 : memref<128x128xf32, #tpu.memory_space<hbm>>) dst(%arg10 : memref<128x128xf32, #tpu.memory_space<vmem>>)
      %dma_start3A_244 = arith.constant 7 : i32
      %dma_start3A_245 = arith.constant 0 : i32
      %dma_start3A_246 = tpu.memref_slice %arg6[%dma_start3A_244, %dma_start3A_245] : memref<8x128xi32, #tpu.memory_space<vmem>> -> memref<1x128xi32, #tpu.memory_space<vmem>>
      %dma_start3A_247 = tpu.memref_squeeze %dma_start3A_246 : memref<1x128xi32, #tpu.memory_space<vmem>> -> memref<128xi32, #tpu.memory_space<vmem>>
      %dma_start3A_248 = arith.constant 0 : i32
      %dma_start3A_249 = arith.constant 0 : i32
      %dma_start3A_250 = tpu.memref_slice %arg2[%dma_start3A_248, %dma_start3A_249] : memref<10000x128xf32, #tpu.memory_space<hbm>> -> memref<10000x128xf32, #tpu.memory_space<hbm>>
      tpu.enqueue_indirect_dma source(%dma_start3A_250 : memref<10000x128xf32, #tpu.memory_space<hbm>>) target(%arg10 : memref<128x128xf32, #tpu.memory_space<vmem>>) offsets(%dma_start3A_247 : memref<128xi32, #tpu.memory_space<vmem>>) semaphore(%arg13 : memref<!tpu.dma_semaphore, #tpu.memory_space<semaphore_mem>>)
      %dma_wait3A_251 = arith.constant 0 : i32
      %dma_wait3A_252 = arith.constant 0 : i32
      %dma_wait3A_253 = tpu.memref_slice %arg2[%dma_wait3A_251, %dma_wait3A_252] : memref<10000x128xf32, #tpu.memory_space<hbm>> -> memref<128x128xf32, #tpu.memory_space<hbm>>
      %dma_wait3A_254 = arith.constant 0 : i32
      %dma_wait3A_255 = arith.constant 0 : i32
      %dma_wait3A_256 = tpu.memref_slice %arg2[%dma_wait3A_254, %dma_wait3A_255] : memref<10000x128xf32, #tpu.memory_space<hbm>> -> memref<128x128xf32, #tpu.memory_space<hbm>>
      tpu.wait_dma2 semaphore(%arg12 : memref<!tpu.dma_semaphore, #tpu.memory_space<semaphore_mem>>) src(%dma_wait3A_256 : memref<128x128xf32, #tpu.memory_space<hbm>>) dst(%arg9 : memref<128x128xf32, #tpu.memory_space<vmem>>)
      %dma_start3A_257 = arith.constant 6 : i32
      %dma_start3A_258 = arith.constant 0 : i32
      %dma_start3A_259 = tpu.memref_slice %arg7[%dma_start3A_257, %dma_start3A_258] : memref<8x128xi32, #tpu.memory_space<vmem>> -> memref<1x128xi32, #tpu.memory_space<vmem>>
      %dma_start3A_260 = tpu.memref_squeeze %dma_start3A_259 : memref<1x128xi32, #tpu.memory_space<vmem>> -> memref<128xi32, #tpu.memory_space<vmem>>
      %dma_start3A_261 = arith.constant 0 : i32
      %dma_start3A_262 = arith.constant 0 : i32
      %dma_start3A_263 = tpu.memref_slice %arg11[%dma_start3A_261, %dma_start3A_262] : memref<10112x128xf32, #tpu.memory_space<vmem_shared>> -> memref<10112x128xf32, #tpu.memory_space<vmem_shared>>
      tpu.enqueue_indirect_dma source(%arg9 : memref<128x128xf32, #tpu.memory_space<vmem>>) target(%dma_start3A_263 : memref<10112x128xf32, #tpu.memory_space<vmem_shared>>) offsets(%dma_start3A_260 : memref<128xi32, #tpu.memory_space<vmem>>) semaphore(%arg14 : memref<!tpu.dma_semaphore, #tpu.memory_space<semaphore_mem>>) {add = true}
      %dma_wait3A_264 = arith.constant 0 : i32
      %dma_wait3A_265 = arith.constant 0 : i32
      %dma_wait3A_266 = tpu.memref_slice %arg2[%dma_wait3A_264, %dma_wait3A_265] : memref<10000x128xf32, #tpu.memory_space<hbm>> -> memref<128x128xf32, #tpu.memory_space<hbm>>
      %dma_wait3A_267 = arith.constant 0 : i32
      %dma_wait3A_268 = arith.constant 0 : i32
      %dma_wait3A_269 = tpu.memref_slice %arg2[%dma_wait3A_267, %dma_wait3A_268] : memref<10000x128xf32, #tpu.memory_space<hbm>> -> memref<128x128xf32, #tpu.memory_space<hbm>>
      tpu.wait_dma2 semaphore(%arg13 : memref<!tpu.dma_semaphore, #tpu.memory_space<semaphore_mem>>) src(%dma_wait3A_269 : memref<128x128xf32, #tpu.memory_space<hbm>>) dst(%arg10 : memref<128x128xf32, #tpu.memory_space<vmem>>)
      %dma_start3A_270 = arith.constant 7 : i32
      %dma_start3A_271 = arith.constant 0 : i32
      %dma_start3A_272 = tpu.memref_slice %arg7[%dma_start3A_270, %dma_start3A_271] : memref<8x128xi32, #tpu.memory_space<vmem>> -> memref<1x128xi32, #tpu.memory_space<vmem>>
      %dma_start3A_273 = tpu.memref_squeeze %dma_start3A_272 : memref<1x128xi32, #tpu.memory_space<vmem>> -> memref<128xi32, #tpu.memory_space<vmem>>
      %dma_start3A_274 = arith.constant 0 : i32
      %dma_start3A_275 = arith.constant 0 : i32
      %dma_start3A_276 = tpu.memref_slice %arg11[%dma_start3A_274, %dma_start3A_275] : memref<10112x128xf32, #tpu.memory_space<vmem_shared>> -> memref<10112x128xf32, #tpu.memory_space<vmem_shared>>
      tpu.enqueue_indirect_dma source(%arg10 : memref<128x128xf32, #tpu.memory_space<vmem>>) target(%dma_start3A_276 : memref<10112x128xf32, #tpu.memory_space<vmem_shared>>) offsets(%dma_start3A_273 : memref<128xi32, #tpu.memory_space<vmem>>) semaphore(%arg15 : memref<!tpu.dma_semaphore, #tpu.memory_space<semaphore_mem>>) {add = true}
      %dma_wait3A_277 = arith.constant 0 : i32
      %dma_wait3A_278 = arith.constant 0 : i32
      %dma_wait3A_279 = tpu.memref_slice %arg2[%dma_wait3A_277, %dma_wait3A_278] : memref<10000x128xf32, #tpu.memory_space<hbm>> -> memref<128x128xf32, #tpu.memory_space<hbm>>
      %dma_wait3A_280 = arith.constant 0 : i32
      %dma_wait3A_281 = arith.constant 0 : i32
      %dma_wait3A_282 = tpu.memref_slice %arg2[%dma_wait3A_280, %dma_wait3A_281] : memref<10000x128xf32, #tpu.memory_space<hbm>> -> memref<128x128xf32, #tpu.memory_space<hbm>>
      tpu.wait_dma2 semaphore(%arg14 : memref<!tpu.dma_semaphore, #tpu.memory_space<semaphore_mem>>) src(%dma_wait3A_282 : memref<128x128xf32, #tpu.memory_space<hbm>>) dst(%arg9 : memref<128x128xf32, #tpu.memory_space<vmem>>)
      %dma_wait3A_283 = arith.constant 0 : i32
      %dma_wait3A_284 = arith.constant 0 : i32
      %dma_wait3A_285 = tpu.memref_slice %arg2[%dma_wait3A_283, %dma_wait3A_284] : memref<10000x128xf32, #tpu.memory_space<hbm>> -> memref<128x128xf32, #tpu.memory_space<hbm>>
      %dma_wait3A_286 = arith.constant 0 : i32
      %dma_wait3A_287 = arith.constant 0 : i32
      %dma_wait3A_288 = tpu.memref_slice %arg2[%dma_wait3A_286, %dma_wait3A_287] : memref<10000x128xf32, #tpu.memory_space<hbm>> -> memref<128x128xf32, #tpu.memory_space<hbm>>
      tpu.wait_dma2 semaphore(%arg15 : memref<!tpu.dma_semaphore, #tpu.memory_space<semaphore_mem>>) src(%dma_wait3A_288 : memref<128x128xf32, #tpu.memory_space<hbm>>) dst(%arg10 : memref<128x128xf32, #tpu.memory_space<vmem>>)
    }
    %scan3A_80 = arith.constant 10 : i32
    %barrier3A_81 = arith.constant 0 : index
    tpu.barrier barrier_id(%barrier3A_81)
    "tpu.region"() ({
      %run_scoped3A = tpu.sem_alloc : memref<!tpu.dma_semaphore, #tpu.memory_space<semaphore_mem>>
      %dma_start3A = arith.constant 0 : i32
      %dma_start3A_82 = tpu.memref_slice %arg5[%arg0, %mul3A_0, %dma_start3A] : memref<2x10112x128xf32, #tpu.memory_space<hbm>> -> memref<1x632x128xf32, #tpu.memory_space<hbm>>
      %dma_start3A_83 = tpu.memref_squeeze %dma_start3A_82 : memref<1x632x128xf32, #tpu.memory_space<hbm>> -> memref<632x128xf32, #tpu.memory_space<hbm>>
      %dma_start3A_84 = arith.constant 0 : i32
      %dma_start3A_85 = tpu.memref_slice %arg11[%mul3A_0, %dma_start3A_84] : memref<10112x128xf32, #tpu.memory_space<vmem_shared>> -> memref<632x128xf32, #tpu.memory_space<vmem_shared>>
      tpu.enqueue_dma source(%dma_start3A_85 : memref<632x128xf32, #tpu.memory_space<vmem_shared>>) target(%dma_start3A_83 : memref<632x128xf32, #tpu.memory_space<hbm>>) target_semaphore(%run_scoped3A : memref<!tpu.dma_semaphore, #tpu.memory_space<semaphore_mem>>)
      %dma_wait3A = arith.constant 0 : i32
      %dma_wait3A_86 = tpu.memref_slice %arg5[%arg0, %mul3A_0, %dma_wait3A] : memref<2x10112x128xf32, #tpu.memory_space<hbm>> -> memref<1x632x128xf32, #tpu.memory_space<hbm>>
      %dma_wait3A_87 = tpu.memref_squeeze %dma_wait3A_86 : memref<1x632x128xf32, #tpu.memory_space<hbm>> -> memref<632x128xf32, #tpu.memory_space<hbm>>
      %dma_wait3A_88 = arith.constant 0 : i32
      %dma_wait3A_89 = tpu.memref_slice %arg11[%mul3A_0, %dma_wait3A_88] : memref<10112x128xf32, #tpu.memory_space<vmem_shared>> -> memref<632x128xf32, #tpu.memory_space<vmem_shared>>
      tpu.wait_dma2 semaphore(%run_scoped3A : memref<!tpu.dma_semaphore, #tpu.memory_space<semaphore_mem>>) src(%dma_wait3A_89 : memref<632x128xf32, #tpu.memory_space<vmem_shared>>) dst(%dma_wait3A_87 : memref<632x128xf32, #tpu.memory_space<hbm>>)
      tpu.yield
    }) : () -> ()
    return
  }
}

module attributes {stable_mosaic.version = 14 : i64} {
  func.func @body(%arg0: i32, %arg1: memref<2000x128xf32, #tpu.memory_space<vmem>>, %arg2: memref<2000x128xf32, #tpu.memory_space<vmem>>, %arg3: memref<2000x128xf32, #tpu.memory_space<vmem>>, %arg4: memref<2000x1xf32, #tpu.memory_space<vmem>>, %arg5: memref<128x128xf32, #tpu.memory_space<vmem>>, %arg6: memref<1x128xf32, #tpu.memory_space<vmem>>, %arg7: memref<128x128xf32, #tpu.memory_space<vmem>>, %arg8: memref<1x128xf32, #tpu.memory_space<vmem>>, %arg9: memref<2000x256xf32, #tpu.memory_space<vmem>>) attributes {dimension_semantics = [#tpu.dimension_semantics<arbitrary>], iteration_bounds = array<i64: 5>, scalar_prefetch = 0 : i64, scratch_operands = 0 : i64, tpu.core_type = #tpu.core_type<tc>, window_params = [{transform_indices = @transform_0, window_bounds = array<i64: 2000, 128>}, {transform_indices = @transform_1, window_bounds = array<i64: 2000, 128>}, {transform_indices = @transform_2, window_bounds = array<i64: 2000, 128>}, {transform_indices = @transform_3, window_bounds = array<i64: 2000, 1>}, {pipeline_mode = #tpu.pipeline_mode<synchronous>, transform_indices = @transform_4, window_bounds = array<i64: 128, 128>}, {pipeline_mode = #tpu.pipeline_mode<synchronous>, transform_indices = @transform_5, window_bounds = array<i64: 1, 128>}, {pipeline_mode = #tpu.pipeline_mode<synchronous>, transform_indices = @transform_6, window_bounds = array<i64: 128, 128>}, {pipeline_mode = #tpu.pipeline_mode<synchronous>, transform_indices = @transform_7, window_bounds = array<i64: 1, 128>}, {transform_indices = @transform_8, window_bounds = array<i64: 2000, 256>}]} {
    %get3A = arith.constant 0 : index
    %get3A_0 = arith.constant 0 : index
    %get3A_1 = vector.load %arg1[%get3A, %get3A_0] : memref<2000x128xf32, #tpu.memory_space<vmem>>, vector<2000x128xf32>
    %get3A_2 = arith.constant 0 : index
    %get3A_3 = arith.constant 0 : index
    %get3A_4 = vector.load %arg5[%get3A_2, %get3A_3] : memref<128x128xf32, #tpu.memory_space<vmem>>, vector<128x128xf32>
    %dot_general3A = arith.constant dense<0.000000e+00> : vector<2000x128xf32>
    %dot_general3A_5 = tpu.matmul %get3A_1, %get3A_4, %dot_general3A {dimension_numbers = #tpu.dot_dimension_numbers<[1], [0], [0], [1], [0, 0, 1, 1], [], []>, transpose_lhs_hint = false} : vector<2000x128xf32>, vector<128x128xf32>, vector<2000x128xf32> -> vector<2000x128xf32>
    %get3A_6 = arith.constant 0 : index
    %get3A_7 = arith.constant 0 : index
    %get3A_8 = vector.load %arg6[%get3A_6, %get3A_7] : memref<1x128xf32, #tpu.memory_space<vmem>>, vector<1x128xf32>
    %add3A = vector.broadcast %get3A_8 : vector<1x128xf32> to vector<2000x128xf32>
    %add3A_9 = arith.addf %dot_general3A_5, %add3A : vector<2000x128xf32>
    %swap3A = arith.constant 0 : index
    %swap3A_10 = arith.constant 0 : index
    %swap3A_11 = vector.load %arg9[%swap3A, %swap3A_10] : memref<2000x256xf32, #tpu.memory_space<vmem>>, vector<2000x128xf32>
    tpu.vector_store %arg9[%swap3A, %swap3A_10], %add3A_9 {strides = array<i32>} : memref<2000x256xf32, #tpu.memory_space<vmem>>, vector<2000x128xf32>,
    %get3A_12 = arith.constant 0 : index
    %get3A_13 = arith.constant 0 : index
    %get3A_14 = vector.load %arg2[%get3A_12, %get3A_13] : memref<2000x128xf32, #tpu.memory_space<vmem>>, vector<2000x128xf32>
    %get3A_15 = arith.constant 0 : index
    %get3A_16 = arith.constant 0 : index
    %get3A_17 = vector.load %arg3[%get3A_15, %get3A_16] : memref<2000x128xf32, #tpu.memory_space<vmem>>, vector<2000x128xf32>
    %add3A_18 = arith.addf %get3A_14, %get3A_17 : vector<2000x128xf32>
    %get3A_19 = arith.constant 0 : index
    %get3A_20 = arith.constant 0 : index
    %get3A_21 = vector.load %arg4[%get3A_19, %get3A_20] : memref<2000x1xf32, #tpu.memory_space<vmem>>, vector<2000x1xf32>
    %mul3A = vector.broadcast %get3A_21 : vector<2000x1xf32> to vector<2000x128xf32>
    %mul3A_22 = arith.mulf %add3A_18, %mul3A : vector<2000x128xf32>
    %get3A_23 = arith.constant 0 : index
    %get3A_24 = arith.constant 0 : index
    %get3A_25 = vector.load %arg7[%get3A_23, %get3A_24] : memref<128x128xf32, #tpu.memory_space<vmem>>, vector<128x128xf32>
    %dot_general3A_26 = arith.constant dense<0.000000e+00> : vector<2000x128xf32>
    %dot_general3A_27 = tpu.matmul %mul3A_22, %get3A_25, %dot_general3A_26 {dimension_numbers = #tpu.dot_dimension_numbers<[1], [0], [0], [1], [0, 0, 1, 1], [], []>, transpose_lhs_hint = false} : vector<2000x128xf32>, vector<128x128xf32>, vector<2000x128xf32> -> vector<2000x128xf32>
    %get3A_28 = arith.constant 0 : index
    %get3A_29 = arith.constant 0 : index
    %get3A_30 = vector.load %arg8[%get3A_28, %get3A_29] : memref<1x128xf32, #tpu.memory_space<vmem>>, vector<1x128xf32>
    %add3A_31 = vector.broadcast %get3A_30 : vector<1x128xf32> to vector<2000x128xf32>
    %add3A_32 = arith.addf %dot_general3A_27, %add3A_31 : vector<2000x128xf32>
    %swap3A_33 = arith.constant 0 : index
    %swap3A_34 = arith.constant 128 : index
    %swap3A_35 = vector.load %arg9[%swap3A_33, %swap3A_34] : memref<2000x256xf32, #tpu.memory_space<vmem>>, vector<2000x128xf32>
    tpu.vector_store %arg9[%swap3A_33, %swap3A_34], %add3A_32 {strides = array<i32>} : memref<2000x256xf32, #tpu.memory_space<vmem>>, vector<2000x128xf32>,
    return
  }
  func.func @transform_0(%arg0: i32) -> (i32, i32) {
    %c0_i32 = arith.constant 0 : i32
    %c0_i32_0 = arith.constant 0 : i32
    return %arg0, %c0_i32 : i32, i32
  }
  func.func @transform_1(%arg0: i32) -> (i32, i32) {
    %c0_i32 = arith.constant 0 : i32
    %c0_i32_0 = arith.constant 0 : i32
    return %arg0, %c0_i32 : i32, i32
  }
  func.func @transform_2(%arg0: i32) -> (i32, i32) {
    %c0_i32 = arith.constant 0 : i32
    %c0_i32_0 = arith.constant 0 : i32
    return %arg0, %c0_i32 : i32, i32
  }
  func.func @transform_3(%arg0: i32) -> (i32, i32) {
    %c0_i32 = arith.constant 0 : i32
    %c0_i32_0 = arith.constant 0 : i32
    return %arg0, %c0_i32 : i32, i32
  }
  func.func @transform_4(%arg0: i32) -> (i32, i32) {
    %c0_i32 = arith.constant 0 : i32
    %c0_i32_0 = arith.constant 0 : i32
    %c0_i32_1 = arith.constant 0 : i32
    return %c0_i32, %c0_i32_0 : i32, i32
  }
  func.func @transform_5(%arg0: i32) -> (i32, i32) {
    %c0_i32 = arith.constant 0 : i32
    %c0_i32_0 = arith.constant 0 : i32
    %c0_i32_1 = arith.constant 0 : i32
    return %c0_i32, %c0_i32_0 : i32, i32
  }
  func.func @transform_6(%arg0: i32) -> (i32, i32) {
    %c0_i32 = arith.constant 0 : i32
    %c0_i32_0 = arith.constant 0 : i32
    %c0_i32_1 = arith.constant 0 : i32
    return %c0_i32, %c0_i32_0 : i32, i32
  }
  func.func @transform_7(%arg0: i32) -> (i32, i32) {
    %c0_i32 = arith.constant 0 : i32
    %c0_i32_0 = arith.constant 0 : i32
    %c0_i32_1 = arith.constant 0 : i32
    return %c0_i32, %c0_i32_0 : i32, i32
  }
  func.func @transform_8(%arg0: i32) -> (i32, i32) {
    %c0_i32 = arith.constant 0 : i32
    %c0_i32_0 = arith.constant 0 : i32
    return %arg0, %c0_i32 : i32, i32
  }
}

</mosaic_0001>

<sc_bundles>
// kernel: kernel.4.cloned.1.call-start
scs
__scs_entry_jumppad:
0x0: {  	(pc) =	sbr.rel $0x88, $3  }
0x1: {  	(tag) =	ssettag $0x0;
	lr =	simm.s32 $0x1  }
0x2: {  	[smem:$0x3F9A] =	sst lr;
	_ =	strace $0xD0000000  }
0x3: {  	_ = 	snop  }
0x4: {  	_ = 	snop  }
0x5: {  	_ = 	snop  }
0x6: {  	_ = 	snop  }
0x7: {  	_ = 	snop  }
__scs_overlays_trampoline_lowered:
0x8: {  	[smem:$0x3FA9] =	sst s0  }
0x9: {  	[smem:$0x3FAA] =	sst s1  }
0xa: {  	[smem:$0x3FAB] =	sst s2  }
0xb: {  	[smem:$0x3FAC] =	sst s3  }
0xc: {  	[smem:$0x3FAD] =	sst s4  }
0xd: {  	[smem:$0x3FAE] =	sst s5  }
0xe: {  	[smem:$0x3FAF] =	sst s6  }
0xf: {  	[smem:$0x3FB0] =	sst s7  }
0x10: {  	[smem:$0x3FB1] =	sst s8  }
0x11: {  	[smem:$0x3FB2] =	sst s9;
	s0 =	simm.s32 @!p0 $0x0  }
0x12: {  	s1 =	sld [smem:$0x3F98];
	s0 =	simm.s32 @p0 $0x1  }
0x13: {  	[smem:$0x3FB3] =	sst s0;
	s0 =	simm.s32 @!p1 $0x0  }
0x14: {  	s2 =	sld [smem:$0x3F97];
	s0 =	simm.s32 @p1 $0x1  }
0x15: {  	[smem:$0x3FB4] =	sst s0;
	s0 =	simm.s32 @!p2 $0x0  }
0x16: {  	s3 =	sld [smem:$0x3FDB];
	s0 =	simm.s32 @p2 $0x1  }
0x17: {  	s4 =	simm.s32 $0x1BF5;
	[smem:$0x3FB6] =	sst s0  }
0x18: {  	s0 =	sld [smem:$0x3F99];
	_ =	swait.ge [sflag:s4], $0x0  }
0x19: {  	s7 =	sld [smem:$0x3F9A]  }
0x1a: {  	s8 =	sadd.s32 $0xFFFFE003, lr  }
0x1b: {  	s9 =	sadd.s32 $0xFFFFFEF7, lr;
	s5 =	simm.s32 $0xFFFFFFFF;
	p2 =	slt.u32 s8, $0xFFFFF086  }
0x1c: {  	p1 =	slt.u32 s9, $0xF7A;
	s5 =	simm.s32 @!p2 $0x0  }
0x1d: {  	s5 =	simm.s32 @p1 $0x1;
	p0 =	seq.s32 s7, s2  }
0x1e: {  	s7 =	smul.u32 @!p0 $0xF7A, s2;
	p2 =	seq.s32 @!p0 s5, $0x0  }
0x1f: {  	s9 =	smul.u32 $0xF7A, s1;
	s8 =	simm.s32 @!p0 $0x1BF5;
	p2 =	por !p2, p0  }
0x20: {  	[sflag:s8] =	ssyncset.s32 @!p0 $0xFFFFF086;
	s6 =	sadd.s32 @!p0 s3, s7;
	s7 =	simm.s32 @!p0 $0x108  }
0x21: {  	s3 =	sadd.s32 s3, s9;
	s6 =	sadd.s32 @!p0 $0x88, s6;
	s7 =	simm.s32 @p2 $0x1082  }
0x22: {  	[simem:s7], [sflag:s8] =	dma.local @!p0 [hbm:s6], $0xF7A  }
0x23: {  	s9 =	sor.u32 $0xD0000000, s2;
	s6 =	simm.s32 $0x108;
	_ =	swait.ge @!p0 [sflag:s8], $0x0  }
0x24: {  	s3 =	sadd.s32 $0x88, s3;
	s6 =	simm.s32 @!p1 $0x1082;
	[sflag:s4] =	ssyncset.s32 $0xFFFFF086  }
0x25: {  	[simem:s6], [sflag:s4] =	dma.local [hbm:s3], $0xF7A  }
0x26: {  	[smem:$0x3F9A] =	sst s1;
	(tag) =	ssettag s2;
	_ =	strace s9  }
0x27: {  	s1 =	sld [smem:$0x3FAA]  }
0x28: {  	s2 =	sld [smem:$0x3FAB]  }
0x29: {  	s4 =	sld [smem:$0x3FAD]  }
0x2a: {  	p0 =	seq.s32 s5, $0x0;
	s5 =	sld [smem:$0x3FAE]  }
0x2b: {  	s6 =	sld [smem:$0x3FAF]  }
0x2c: {  	s7 =	sld [smem:$0x3FB0]  }
0x2d: {  	s3 =	simm.s32 $0x108;
	s8 =	sld [smem:$0x3FB1]  }
0x2e: {  	s3 =	simm.s32 @!p0 $0x1082;
	s9 =	sld [smem:$0x3FB2]  }
0x2f: {  	lr =	sadd.s32 s0, s3;
	s0 =	sld [smem:$0x3FA9]  }
0x30: {  	s3 =	sld [smem:$0x3FAC]  }
0x31: {  	[smem:$0x3FB5] =	sst s10  }
0x32: {  	s10 =	sld [smem:$0x3FB3];
	_ =	sdelay $0x3  }
0x33: {  	p0 =	seq.s32 s10, $0x1;
	s10 =	sld [smem:$0x3FB5];
	_ =	sdelay $0x3  }
0x34: {  	[smem:$0x3FB5] =	sst s10  }
0x35: {  	s10 =	sld [smem:$0x3FB4];
	_ =	sdelay $0x3  }
0x36: {  	p1 =	seq.s32 s10, $0x1;
	s10 =	sld [smem:$0x3FB5];
	_ =	sdelay $0x3  }
0x37: {  	[smem:$0x3FB5] =	sst s10  }
0x38: {  	s10 =	sld [smem:$0x3FB6]  }
0x39: {  	_ = 	snop;
	(pc) =	sbr.ind lr, $3  }
0x3a: {  	_ = 	snop  }
0x3b: {  	_ = 	snop  }
0x3c: {  	p2 =	seq.s32 s10, $0x1;
	s10 =	sld [smem:$0x3FB5]  }
0x3d: {  	_ =	shalt  }
0x3e: {  	_ =	shalt  }
0x3f: {  	_ =	shalt  }
0x40: {  	_ =	shalt  }
0x41: {  	_ =	shalt  }
0x42: {  	_ =	shalt  }
0x43: {  	_ =	shalt  }
0x44: {  	_ =	shalt  }
0x45: {  	_ =	shalt  }
0x46: {  	_ =	shalt  }
0x47: {  	_ =	shalt  }
0x48: {  	_ =	shalt  }
0x49: {  	_ =	shalt  }
0x4a: {  	_ =	shalt  }
0x4b: {  	_ =	shalt  }
0x4c: {  	_ =	shalt  }
0x4d: {  	_ =	shalt  }
0x4e: {  	_ =	shalt  }
0x4f: {  	_ =	shalt  }
0x50: {  	_ =	shalt  }
0x51: {  	_ =	shalt  }
0x52: {  	_ =	shalt  }
0x53: {  	_ =	shalt  }
0x54: {  	_ =	shalt  }
0x55: {  	_ =	shalt  }
0x56: {  	_ =	shalt  }
0x57: {  	_ =	shalt  }
0x58: {  	_ =	shalt  }
0x59: {  	_ =	shalt  }
0x5a: {  	_ =	shalt  }
0x5b: {  	_ =	shalt  }
0x5c: {  	_ =	shalt  }
0x5d: {  	_ =	shalt  }
0x5e: {  	_ =	shalt  }
0x5f: {  	_ =	shalt  }
0x60: {  	_ =	shalt  }
0x61: {  	_ =	shalt  }
0x62: {  	_ =	shalt  }
0x63: {  	_ =	shalt  }
0x64: {  	_ =	shalt  }
0x65: {  	_ =	shalt  }
0x66: {  	_ =	shalt  }
0x67: {  	_ =	shalt  }
0x68: {  	_ =	shalt  }
0x69: {  	_ =	shalt  }
0x6a: {  	_ =	shalt  }
0x6b: {  	_ =	shalt  }
0x6c: {  	_ =	shalt  }
0x6d: {  	_ =	shalt  }
0x6e: {  	_ =	shalt  }
0x6f: {  	_ =	shalt  }
0x70: {  	_ =	shalt  }
0x71: {  	_ =	shalt  }
0x72: {  	_ =	shalt  }
0x73: {  	_ =	shalt  }
0x74: {  	_ =	shalt  }
0x75: {  	_ =	shalt  }
0x76: {  	_ =	shalt  }
0x77: {  	_ =	shalt  }
0x78: {  	_ =	shalt  }
0x79: {  	_ =	shalt  }
0x7a: {  	_ =	shalt  }
0x7b: {  	_ =	shalt  }
0x7c: {  	_ =	shalt  }
0x7d: {  	_ =	shalt  }
0x7e: {  	_ =	shalt  }
0x7f: {  	_ =	shalt  }
0x80: {  	_ =	shalt  }
0x81: {  	_ =	shalt  }
0x82: {  	_ =	shalt  }
0x83: {  	_ =	shalt  }
0x84: {  	_ =	shalt  }
0x85: {  	_ =	shalt  }
0x86: {  	_ =	shalt  }
0x87: {  	_ =	shalt  }
.Lfunc_end0:
.L_simem_size_0:
called_computation_lowered:
.L_overlay_start_0:
0x88: {  	s2 =	sld [smem:$0x3FD9]  }
0x89: {  	s3 =	sld [smem:$0x3FFE];
	_ =	sdelay $0x1  }
0x8a: {  	s1 =	srdreg.scid  }
0x8b: {  	s0 =	sand.u32 $0x1, s1  }
0x8c: {  	s17 =	sshll.u32 s0, $0xA;
	s2 =	sadd.s32 s3, s2  }
0x8d: {  	s2 =	sadd.s32 s2, s17  }
0x8e: {  	[smem:$0x3FC1] =	sst s2  }
0x8f: {  	_ = 	snop  }
0x90: {  	s2 =	sld [smem:$0x3FC9]  }
0x91: {  	s18 =	sld [smem:$0x3FD0];
	(tm) =	ssettm $0x1  }
0x92: {  	s4 =	sld [smem:$0x3FFB];
	_ =	sdelay $0x3  }
0x93: {  	_ =	strace s4  }
0x94: {  	s4 =	sld [smem:$0x3FFC];
	_ =	sdelay $0x3  }
0x95: {  	_ =	strace s4  }
0x96: {  	s4 =	sld [smem:$0x3FFD];
	_ =	sdelay $0x3  }
0x97: {  	_ =	strace s4  }
0x98: {  	_ =	strace $0x8FFFFFFF  }
0x99: {  	s19 =	sld [smem:$0x3FDB];
	_ =	sdelay $0x1  }
0x9a: {  	s5 =	simm.s32 $_scs_section_size  }
0x9b: {  	s6 =	simm.s32 $_size__tile_overlayer_lowered;
	s7 =	simm.s32 $_tile_overlayer_lowered  }
0x9c: {  	s22 =	simm.s32 $0x1BFF;
	s21 =	sshll.u32 s7, $0x1;
	s4 =	sadd.s32 s5, s19  }
0x9d: {  	s8 =	simm.s32 $0x0;
	s20 =	sshll.u32 s6, $0x1;
	s6 =	sadd.s32 s21, s4  }
0x9e: {  	[timem:s8], [sflag:s22] =	dma.local [hbm:s6], s20  }
0x9f: {  	_ =	swait.ge [sflag:s22], s20  }
0xa0: {  	s5 =	ssub.s32 $0x0, s20;
	[sflag:s22] =	ssyncset.done $0x0  }
0xa1: {  	[sflag:s22] =	ssyncadd.s32 s5;
	_ =	sdelay $0x1  }
0xa2: {  	s23 =	simm.s32 $0x1B8B  }
0xa3: {  	_ =	swait.ge [sflag:s23], $0x1  }
0xa4: {  	[sflag:s23] =	ssyncset.done $0x0  }
0xa5: {  	s25 =	simm.s32 $0x1B8E;
	s24 =	sld [smem:$0x3FFE];
	[sflag:s23] =	ssyncadd.s32 $0xFFFFFFFF  }
0xa6: {  	s26 =	simm.s32 $execute0_lowered;
	[smem:$0x3FD2] =	sst s25  }
0xa7: {  	s6 =	sshll.u32 s26, $0x1;
	_ =	strace $0x80000046;
	[dreg:$0x1] =	wrdreg $0xFFFFFFFF  }
0xa8: {  	s28 =	simm.s32 $_size_execute0_lowered;
	s4 =	sadd.s32 s4, s6;
	[dreg:$0x0] =	wrdreg $0x0  }
0xa9: {  	s6 =	sshll.u32 s28, $0x1;
	[dreg:$0x2] =	wrdreg s4  }
0xaa: {  	[dreg:$0x3] =	wrdreg s6  }
0xab: {  	[dreg:$0x4] =	wrdreg $0xC0  }
0xac: {  	_ =	task [dreg:s8], $0x5FFFF  }
0xad: {  	[dreg:$0x1] =	wrdreg $0xFFFFFFFF  }
0xae: {  	[dreg:$0x0] =	wrdreg $0x60  }
0xaf: {  	[dreg:$0x2] =	wrdreg s2  }
0xb0: {  	[dreg:$0x3] =	wrdreg s18  }
0xb1: {  	[dreg:$0x4] =	wrdreg s24  }
0xb2: {  	[dreg:$0x5] =	wrdreg $0x88800  }
0xb3: {  	[dreg:$0x6] =	wrdreg $0x9  }
0xb4: {  	_ =	task.clear_ibuf [dreg:s8], $0x7FFFF;
	_ =	strace $0x90000046  }
0xb5: {  	s29 =	simm.s32 $0x9;
	_ =	strace $0x80000048  }
0xb6: {  	_ =	swait.ge [sflag:s29], $0x1  }
0xb7: {  	[sflag:s29] =	ssyncadd.s32 $0xFFFFFFFF  }
0xb8: {  	_ =	strace $0x90000048  }
0xb9: {  	_ =	sfence  }
0xba: {  	s30 =	sld [smem:$0x0];
	_ =	sdelay $0x2  }
0xbb: {  	s31 =	sshll.u32 s1, $0xD;
	s1 =	sshrl.u32 s1, $0x2  }
0xbc: {  	s3 =	sand.u32 $0x4000, s31;
	s1 =	sadd.s32 s1, s30  }
0xbd: {  	s0 =	sor.u32 s3, s0;
	s1 =	sshll.u32 s1, $0x11  }
0xbe: {  	s0 =	sor.u32 s1, s0  }
0xbf: {  	s0 =	sadd.s32 $0x8F2B, s0  }
0xc0: {  	[sflag:s0] =	ssyncadd.remote.s32 $0x1  }
0xc1: {  	_ =	sfence.sel $0xFFFF  }
0xc2: {  	[dreg:$0x0] =	wrdreg $0xFFFFFFFF;
	(pc) =	sbr.abs _section_cstart, $3  }
0xc3: {  	[dreg:$0x1] =	wrdreg $0xFFFFFFFF  }
0xc4: {  	_ =	task.clear_ibuf [dreg:s8], $0x2FFFF;
	_ =	strace $0x9FFFFFFF  }
0xc5: {  	(tm) =	ssettm $0x7FFFFFFF  }
tec
execute0_lowered:
.L_overlay_start_1:
0x0: {  	(tag) =	ssettag $0x1  }
0x1: {  	s0 =	rddreg [dreg:$0x0]  }
0x2: {  	s1 =	rddreg [dreg:$0x1];
	s2 =	srdreg.scid  }
0x3: {  	s5 =	rddreg [dreg:$0x2];
	s9 =	stileid.u32  }
0x4: {  	s3 =	rddreg [dreg:$0x3];
	s4 =	simm.s32 $0x0;
	s13 =	simm.s32 $0x880  }
0x5: {  	s14 =	simm.s32 $0x5;
	s15 =	simm.s32 $0x400;
	s16 =	simm.s32 $0x80  }
0x6: {  	s17 =	simm.s32 $0x4880;
	s18 =	simm.s32 $0x1;
	s7 =	smul.u32 $0x2800, s9  }
0x7: {  	s19 =	simm.s32 $0x3;
	s28 =	simm.s32 $0x580;
	s20 =	smul.u32 $0x13C00, s9  }
0x8: {  	s29 =	simm.s32 $0x280;
	s2 =	sand.u32 $0x1, s2;
	s9 =	smul.u32 $0x4F000, s9  }
0x9: {  	s30 =	simm.s32 $0x600;
	s31 =	simm.s32 $0x300;
	s6 =	smul.u32 $0x28000, s2  }
0xa: {  	[smem:$0x7FF] =	sst s4;
	s8 =	smul.u32 $0x13C000, s2;
	s2 =	ssub.s32 $0x2, s2  }
0xb: {  	_ =	strace $0x80000047;
	s21 =	sshrl.u32 s9, $0x2;
	s22 =	sshrl.u32 s2, $0x1  }
0xc: {  	s6 =	sadd.s32 s7, s6;
	s7 =	sadd.s32 s20, s8;
	s23 =	sadd.s32 s21, s3  }
0xd: {  	s2 =	ssub.s32 s2, s22;
	s20 =	simm.s32 $0x100;
	s21 =	simm.s32 $0x2  }
0xe: {  	s22 =	simm.s32 $0x480;
	s8 =	sadd.s32 $0x10000, s23;
	[dreg:$0x6] =	wrdreg s23  }
0xf: {  	s6 =	sshrl.u32 s6, $0x3;
	s2 =	smax.u32 s2, $0x1;
	[dreg:$0x7] =	wrdreg s8  }
0x10: {  	s7 =	sshrl.u32 s7, $0x3;
	s24 =	sadd.s32 $0x4000, s23;
	[dreg:$0x9] =	wrdreg s2  }
0x11: {  	s26 =	sadd.s32 $0x8000, s23;
	s10 =	sadd.s32 s6, s5;
	[dreg:$0xa] =	wrdreg s24  }
0x12: {  	s7 =	sadd.s32 s7, s5;
	[dreg:$0xb] =	wrdreg s26;
	s5 =	sadd.s32 $0xC000, s23  }
0x13: {  	s12 =	sadd.s32 s6, s1;
	s23 =	simm.s32 $0x4;
	s24 =	simm.s32 $0x180  }
0x14: {  	s26 =	simm.s32 $0x200;
	s2 =	simm.s32 $0x680;
	s1 =	simm.s32 $0x380  }
0x15: {  	s6 =	simm.s32 $0x700;
	s7 =	sadd.s32 $0xB000, s7;
	[dreg:$0xc] =	wrdreg s5  }
0x16: {  	s8 =	simm.s32 $0x0;
	s25 =	sadd.s32 $0x1000, s10;
	[dreg:$0x8] =	wrdreg s7  }
0x17: {  	v0 =	vimm.s32 $0x2710;
	v1 =	vimm.f32 $0.0e+00;
	[dreg:$0x5] =	wrdreg s25;
	s25 =	simm.s32 $0x500;
	s7 =	simm.s32 $0x780  }
.LBB2_1:
0x18: {  	[tilespmem:$0x800] =	vst v0  }
0x19: {  	[tilespmem:$0x810] =	vst v0  }
0x1a: {  	[tilespmem:$0x820] =	vst v0  }
0x1b: {  	[tilespmem:$0x830] =	vst v0  }
0x1c: {  	[tilespmem:$0x840] =	vst v0  }
0x1d: {  	[tilespmem:$0x850] =	vst v0;
	s9 =	sand.u32 $0xFE00, s4  }
0x1e: {  	[tilespmem:$0x860] =	vst v0;
	s10 =	sand.u32 $0x70, s4;
	s11 =	sshrl.u32 s9, $0x2  }
0x1f: {  	[tilespmem:$0x870] =	vst v0;
	s9 =	simm.s32 $0x40;
	s11 =	sor.u32 s10, s11;
	s10 =	simm.s32 $0x0  }
.LBB2_2:
0x20: {  	p0 =	sne.s32 s9, $0xFFC0  }
0x21: {  	[tilespmem:s11+$0x880] =	vst v1;
	s10 =	sadd.s32 $0x10, s10;
	s11 =	smov.u32 s9;
	s9 =	sadd.s32 $0x40, s9  }
.Ltmp0:
0x22: {  	(pc) =	sbr.rel @p0 .LBB2_2-.Ltmp0, $4  }
0x23: {  	_ = 	snop  }
0x24: {  	s11 =	sand.u32 $0xFE00, s11  }
0x25: {  	s5 =	sand.u32 $0x70, s10;
	s11 =	sshrl.u32 s11, $0x2  }
0x26: {  	s11 =	sor.u32 s5, s11  }
0x27: {  	[dreg:$0xd] =	wrdreg s8  }
0x28: {  	[tilespmem:s11+$0x880] =	vst v1;
	s5 =	rddreg [dreg:$0x6]  }
0x29: {  	[spmem:s5] =	stream.linear.scatter [tilespmem:s13], [sflag:$0x5], $0x4000, $0x38;
	[tilespmem:$0x1C480] =	vst v63  }
0x2a: {  	_ =	swait.ge [sflag:s14], $0x4000  }
0x2b: {  	[sflag:s14] =	ssyncset.done $0x0  }
0x2c: {  	s10 =	rddreg [dreg:$0xa];
	[sflag:s14] =	ssyncadd.s32 $0xFFFFC000  }
0x2d: {  	[spmem:s10] =	stream.linear.scatter [tilespmem:s13], [sflag:$0x5], $0x4000, $0x38;
	[tilespmem:$0x1C480] =	vst v63  }
0x2e: {  	_ =	swait.ge [sflag:s14], $0x4000  }
0x2f: {  	[sflag:s14] =	ssyncset.done $0x0  }
0x30: {  	s11 =	rddreg [dreg:$0xb];
	[sflag:s14] =	ssyncadd.s32 $0xFFFFC000  }
0x31: {  	[spmem:s11] =	stream.linear.scatter [tilespmem:s13], [sflag:$0x5], $0x4000, $0x38;
	[tilespmem:$0x1C480] =	vst v63  }
0x32: {  	_ =	swait.ge [sflag:s14], $0x4000  }
0x33: {  	[sflag:s14] =	ssyncset.done $0x0  }
0x34: {  	s8 =	rddreg [dreg:$0xc];
	[sflag:s14] =	ssyncadd.s32 $0xFFFFC000  }
0x35: {  	[spmem:s8] =	stream.linear.scatter [tilespmem:s13], [sflag:$0x5], $0x4000, $0x38;
	[tilespmem:$0x1C480] =	vst v63  }
0x36: {  	_ =	swait.ge [sflag:s14], $0x4000  }
0x37: {  	[sflag:s14] =	ssyncset.done $0x0  }
0x38: {  	s9 =	rddreg [dreg:$0x7];
	[sflag:s14] =	ssyncadd.s32 $0xFFFFC000  }
0x39: {  	[spmem:s9] =	stream.linear.scatter [tilespmem:s13], [sflag:$0x5], $0x3C00, $0x38;
	[tilespmem:$0x1C480] =	vst v63  }
0x3a: {  	_ =	swait.ge [sflag:s14], $0x3C00  }
0x3b: {  	[sflag:s14] =	ssyncset.done $0x0  }
0x3c: {  	[sflag:s14] =	ssyncadd.s32 $0xFFFFC400  }
0x3d: {  	s10 =	sadd.s32 $0x0, s12;
	[bflag:$0x0] =	sbarrier.arrive $0xFFFF  }
0x3e: {  	[tilespmem:s4], [sflag:$0x5] =	stream.linear.gather [hbm4b:s10+s4], $0x400, $0x38;
	[tilespmem:$0x1C480] =	vst v63  }
0x3f: {  	_ =	swait.ge [sflag:s14], $0x400  }
0x40: {  	s11 =	rddreg [dreg:$0x5];
	[sflag:s14] =	ssyncset.done $0x0  }
0x41: {  	[sflag:s14] =	ssyncadd.s32 $0xFFFFFC00;
	s5 =	sadd.s32 $0x0, s11  }
0x42: {  	[tilespmem:s15], [sflag:$0x5] =	stream.linear.gather [hbm4b:s5+s4], $0x400, $0x38;
	[tilespmem:$0x1C480] =	vst v63  }
0x43: {  	_ =	swait.ge [sflag:s14], $0x400  }
0x44: {  	[sflag:s14] =	ssyncset.done $0x0  }
0x45: {  	[sflag:s14] =	ssyncadd.s32 $0xFFFFFC00  }
0x46: {  	[tilespmem:s13], [sflag:$0x1] =	stream.indirect.gather [hbm4b:s0+s16], $0x80, s4, s16, $0xb8;
	[tilespmem:$0x1C480] =	vst v63  }
0x47: {  	_ = 	snop  }
0x48: {  	[tilespmem:s17], [sflag:$0x2] =	stream.indirect.gather [hbm4b:s0+s16], $0x80, s16, s16, $0xb8;
	[tilespmem:$0x1C480] =	vst v63  }
0x49: {  	_ =	swait.ge [sflag:s18], $0x4000  }
0x4a: {  	[sflag:s18] =	ssyncset.done $0x0  }
0x4b: {  	[sflag:s18] =	ssyncadd.s32 $0xFFFFC000  }
0x4c: {  	[spmem:s3] =	stream.indirect.scatter.add.f32 [tilespmem:s13], [sflag:$0x3], $0x80, s15, s16, $0xb8;
	[tilespmem:$0x1C480] =	vst v63  }
0x4d: {  	_ =	swait.ge [sflag:s19], $0x4000  }
0x4e: {  	[sflag:s19] =	ssyncset.done $0x0  }
0x4f: {  	[sflag:s19] =	ssyncadd.s32 $0xFFFFC000  }
0x50: {  	[tilespmem:s13], [sflag:$0x1] =	stream.indirect.gather [hbm4b:s0+s16], $0x80, s20, s16, $0xb8;
	[tilespmem:$0x1C480] =	vst v63  }
0x51: {  	_ =	swait.ge [sflag:s21], $0x4000  }
0x52: {  	[sflag:s21] =	ssyncset.done $0x0  }
0x53: {  	[sflag:s21] =	ssyncadd.s32 $0xFFFFC000  }
0x54: {  	[spmem:s3] =	stream.indirect.scatter.add.f32 [tilespmem:s17], [sflag:$0x4], $0x80, s22, s16, $0xb8;
	[tilespmem:$0x1C480] =	vst v63  }
0x55: {  	_ =	swait.ge [sflag:s23], $0x4000  }
0x56: {  	[sflag:s23] =	ssyncset.done $0x0  }
0x57: {  	[sflag:s23] =	ssyncadd.s32 $0xFFFFC000  }
0x58: {  	[tilespmem:s17], [sflag:$0x2] =	stream.indirect.gather [hbm4b:s0+s16], $0x80, s24, s16, $0xb8;
	[tilespmem:$0x1C480] =	vst v63  }
0x59: {  	_ =	swait.ge [sflag:s18], $0x4000  }
0x5a: {  	[sflag:s18] =	ssyncset.done $0x0  }
0x5b: {  	[sflag:s18] =	ssyncadd.s32 $0xFFFFC000  }
0x5c: {  	[spmem:s3] =	stream.indirect.scatter.add.f32 [tilespmem:s13], [sflag:$0x3], $0x80, s25, s16, $0xb8;
	[tilespmem:$0x1C480] =	vst v63  }
0x5d: {  	_ =	swait.ge [sflag:s19], $0x4000  }
0x5e: {  	[sflag:s19] =	ssyncset.done $0x0  }
0x5f: {  	[sflag:s19] =	ssyncadd.s32 $0xFFFFC000  }
0x60: {  	[tilespmem:s13], [sflag:$0x1] =	stream.indirect.gather [hbm4b:s0+s16], $0x80, s26, s16, $0xb8;
	[tilespmem:$0x1C480] =	vst v63  }
0x61: {  	_ =	swait.ge [sflag:s21], $0x4000  }
0x62: {  	[sflag:s21] =	ssyncset.done $0x0  }
0x63: {  	[sflag:s21] =	ssyncadd.s32 $0xFFFFC000  }
0x64: {  	[spmem:s3] =	stream.indirect.scatter.add.f32 [tilespmem:s17], [sflag:$0x4], $0x80, s28, s16, $0xb8;
	[tilespmem:$0x1C480] =	vst v63  }
0x65: {  	_ =	swait.ge [sflag:s23], $0x4000  }
0x66: {  	[sflag:s23] =	ssyncset.done $0x0  }
0x67: {  	[sflag:s23] =	ssyncadd.s32 $0xFFFFC000  }
0x68: {  	[tilespmem:s17], [sflag:$0x2] =	stream.indirect.gather [hbm4b:s0+s16], $0x80, s29, s16, $0xb8;
	[tilespmem:$0x1C480] =	vst v63  }
0x69: {  	_ =	swait.ge [sflag:s18], $0x4000  }
0x6a: {  	[sflag:s18] =	ssyncset.done $0x0  }
0x6b: {  	[sflag:s18] =	ssyncadd.s32 $0xFFFFC000  }
0x6c: {  	[spmem:s3] =	stream.indirect.scatter.add.f32 [tilespmem:s13], [sflag:$0x3], $0x80, s30, s16, $0xb8;
	[tilespmem:$0x1C480] =	vst v63  }
0x6d: {  	_ =	swait.ge [sflag:s19], $0x4000  }
0x6e: {  	[sflag:s19] =	ssyncset.done $0x0  }
0x6f: {  	[sflag:s19] =	ssyncadd.s32 $0xFFFFC000  }
0x70: {  	[tilespmem:s13], [sflag:$0x1] =	stream.indirect.gather [hbm4b:s0+s16], $0x80, s31, s16, $0xb8;
	[tilespmem:$0x1C480] =	vst v63  }
0x71: {  	_ =	swait.ge [sflag:s21], $0x4000  }
0x72: {  	[sflag:s21] =	ssyncset.done $0x0  }
0x73: {  	[sflag:s21] =	ssyncadd.s32 $0xFFFFC000  }
0x74: {  	[spmem:s3] =	stream.indirect.scatter.add.f32 [tilespmem:s17], [sflag:$0x4], $0x80, s2, s16, $0xb8;
	[tilespmem:$0x1C480] =	vst v63  }
0x75: {  	_ =	swait.ge [sflag:s23], $0x4000  }
0x76: {  	[sflag:s23] =	ssyncset.done $0x0  }
0x77: {  	[sflag:s23] =	ssyncadd.s32 $0xFFFFC000  }
0x78: {  	[tilespmem:s17], [sflag:$0x2] =	stream.indirect.gather [hbm4b:s0+s16], $0x80, s1, s16, $0xb8;
	[tilespmem:$0x1C480] =	vst v63  }
0x79: {  	_ =	swait.ge [sflag:s18], $0x4000  }
0x7a: {  	[sflag:s18] =	ssyncset.done $0x0  }
0x7b: {  	[sflag:s18] =	ssyncadd.s32 $0xFFFFC000  }
0x7c: {  	[spmem:s3] =	stream.indirect.scatter.add.f32 [tilespmem:s13], [sflag:$0x3], $0x80, s6, s16, $0xb8;
	[tilespmem:$0x1C480] =	vst v63  }
0x7d: {  	_ =	swait.ge [sflag:s21], $0x4000  }
0x7e: {  	[sflag:s21] =	ssyncset.done $0x0  }
0x7f: {  	[sflag:s21] =	ssyncadd.s32 $0xFFFFC000  }
0x80: {  	[spmem:s3] =	stream.indirect.scatter.add.f32 [tilespmem:s17], [sflag:$0x4], $0x80, s7, s16, $0xb8;
	[tilespmem:$0x1C480] =	vst v63  }
0x81: {  	_ =	swait.ge [sflag:s19], $0x4000  }
0x82: {  	[sflag:s19] =	ssyncset.done $0x0  }
0x83: {  	[sflag:s19] =	ssyncadd.s32 $0xFFFFC000  }
0x84: {  	_ =	swait.ge [sflag:s23], $0x4000  }
0x85: {  	s9 =	simm.s32 $0x80;
	s10 =	simm.s32 $0x100;
	[sflag:s23] =	ssyncset.done $0x0  }
.LBB2_4:
0x86: {  	s5 =	sadd.s32 s9, s12;
	[sflag:s23] =	ssyncadd.s32 $0xFFFFC000  }
0x87: {  	[tilespmem:s4], [sflag:$0x5] =	stream.linear.gather [hbm4b:s5+s4], $0x400, $0x38;
	[tilespmem:$0x1C480] =	vst v63  }
0x88: {  	s8 =	smov.u32 s10;
	s11 =	sadd.s32 $0x80, s10;
	_ =	swait.ge [sflag:s14], $0x400  }
0x89: {  	p0 =	sne.s32 s10, $0x480;
	s10 =	rddreg [dreg:$0x5];
	[sflag:s14] =	ssyncset.done $0x0  }
0x8a: {  	[sflag:s14] =	ssyncadd.s32 $0xFFFFFC00;
	s5 =	sadd.s32 s9, s10  }
0x8b: {  	[tilespmem:s15], [sflag:$0x5] =	stream.linear.gather [hbm4b:s5+s4], $0x400, $0x38;
	[tilespmem:$0x1C480] =	vst v63  }
0x8c: {  	_ =	swait.ge [sflag:s14], $0x400  }
0x8d: {  	[sflag:s14] =	ssyncset.done $0x0  }
0x8e: {  	[sflag:s14] =	ssyncadd.s32 $0xFFFFFC00  }
0x8f: {  	[tilespmem:s13], [sflag:$0x1] =	stream.indirect.gather [hbm4b:s0+s16], $0x80, s4, s16, $0xb8;
	[tilespmem:$0x1C480] =	vst v63  }
0x90: {  	_ = 	snop  }
0x91: {  	[tilespmem:s17], [sflag:$0x2] =	stream.indirect.gather [hbm4b:s0+s16], $0x80, s16, s16, $0xb8;
	[tilespmem:$0x1C480] =	vst v63  }
0x92: {  	_ =	swait.ge [sflag:s18], $0x4000  }
0x93: {  	[sflag:s18] =	ssyncset.done $0x0  }
0x94: {  	[sflag:s18] =	ssyncadd.s32 $0xFFFFC000  }
0x95: {  	[spmem:s3] =	stream.indirect.scatter.add.f32 [tilespmem:s13], [sflag:$0x3], $0x80, s15, s16, $0xb8;
	[tilespmem:$0x1C480] =	vst v63  }
0x96: {  	_ =	swait.ge [sflag:s19], $0x4000  }
0x97: {  	[sflag:s19] =	ssyncset.done $0x0  }
0x98: {  	[sflag:s19] =	ssyncadd.s32 $0xFFFFC000  }
0x99: {  	[tilespmem:s13], [sflag:$0x1] =	stream.indirect.gather [hbm4b:s0+s16], $0x80, s20, s16, $0xb8;
	[tilespmem:$0x1C480] =	vst v63  }
0x9a: {  	_ =	swait.ge [sflag:s21], $0x4000  }
0x9b: {  	[sflag:s21] =	ssyncset.done $0x0  }
0x9c: {  	[sflag:s21] =	ssyncadd.s32 $0xFFFFC000  }
0x9d: {  	[spmem:s3] =	stream.indirect.scatter.add.f32 [tilespmem:s17], [sflag:$0x4], $0x80, s22, s16, $0xb8;
	[tilespmem:$0x1C480] =	vst v63  }
0x9e: {  	_ =	swait.ge [sflag:s23], $0x4000  }
0x9f: {  	[sflag:s23] =	ssyncset.done $0x0  }
0xa0: {  	[sflag:s23] =	ssyncadd.s32 $0xFFFFC000  }
0xa1: {  	[tilespmem:s17], [sflag:$0x2] =	stream.indirect.gather [hbm4b:s0+s16], $0x80, s24, s16, $0xb8;
	[tilespmem:$0x1C480] =	vst v63  }
0xa2: {  	_ =	swait.ge [sflag:s18], $0x4000  }
0xa3: {  	[sflag:s18] =	ssyncset.done $0x0  }
0xa4: {  	[sflag:s18] =	ssyncadd.s32 $0xFFFFC000  }
0xa5: {  	[spmem:s3] =	stream.indirect.scatter.add.f32 [tilespmem:s13], [sflag:$0x3], $0x80, s25, s16, $0xb8;
	[tilespmem:$0x1C480] =	vst v63  }
0xa6: {  	_ =	swait.ge [sflag:s19], $0x4000  }
0xa7: {  	[sflag:s19] =	ssyncset.done $0x0  }
0xa8: {  	[sflag:s19] =	ssyncadd.s32 $0xFFFFC000  }
0xa9: {  	[tilespmem:s13], [sflag:$0x1] =	stream.indirect.gather [hbm4b:s0+s16], $0x80, s26, s16, $0xb8;
	[tilespmem:$0x1C480] =	vst v63  }
0xaa: {  	_ =	swait.ge [sflag:s21], $0x4000  }
0xab: {  	[sflag:s21] =	ssyncset.done $0x0  }
0xac: {  	[sflag:s21] =	ssyncadd.s32 $0xFFFFC000  }
0xad: {  	[spmem:s3] =	stream.indirect.scatter.add.f32 [tilespmem:s17], [sflag:$0x4], $0x80, s28, s16, $0xb8;
	[tilespmem:$0x1C480] =	vst v63  }
0xae: {  	_ =	swait.ge [sflag:s23], $0x4000  }
0xaf: {  	[sflag:s23] =	ssyncset.done $0x0  }
0xb0: {  	[sflag:s23] =	ssyncadd.s32 $0xFFFFC000  }
0xb1: {  	[tilespmem:s17], [sflag:$0x2] =	stream.indirect.gather [hbm4b:s0+s16], $0x80, s29, s16, $0xb8;
	[tilespmem:$0x1C480] =	vst v63  }
0xb2: {  	_ =	swait.ge [sflag:s18], $0x4000  }
0xb3: {  	[sflag:s18] =	ssyncset.done $0x0  }
0xb4: {  	[sflag:s18] =	ssyncadd.s32 $0xFFFFC000  }
0xb5: {  	[spmem:s3] =	stream.indirect.scatter.add.f32 [tilespmem:s13], [sflag:$0x3], $0x80, s30, s16, $0xb8;
	[tilespmem:$0x1C480] =	vst v63  }
0xb6: {  	_ =	swait.ge [sflag:s19], $0x4000  }
0xb7: {  	[sflag:s19] =	ssyncset.done $0x0  }
0xb8: {  	[sflag:s19] =	ssyncadd.s32 $0xFFFFC000  }
0xb9: {  	[tilespmem:s13], [sflag:$0x1] =	stream.indirect.gather [hbm4b:s0+s16], $0x80, s31, s16, $0xb8;
	[tilespmem:$0x1C480] =	vst v63  }
0xba: {  	_ =	swait.ge [sflag:s21], $0x4000  }
0xbb: {  	[sflag:s21] =	ssyncset.done $0x0  }
0xbc: {  	[sflag:s21] =	ssyncadd.s32 $0xFFFFC000  }
0xbd: {  	[spmem:s3] =	stream.indirect.scatter.add.f32 [tilespmem:s17], [sflag:$0x4], $0x80, s2, s16, $0xb8;
	[tilespmem:$0x1C480] =	vst v63  }
0xbe: {  	_ =	swait.ge [sflag:s23], $0x4000  }
0xbf: {  	[sflag:s23] =	ssyncset.done $0x0  }
0xc0: {  	[sflag:s23] =	ssyncadd.s32 $0xFFFFC000  }
0xc1: {  	[tilespmem:s17], [sflag:$0x2] =	stream.indirect.gather [hbm4b:s0+s16], $0x80, s1, s16, $0xb8;
	[tilespmem:$0x1C480] =	vst v63  }
0xc2: {  	_ =	swait.ge [sflag:s18], $0x4000  }
0xc3: {  	[sflag:s18] =	ssyncset.done $0x0  }
0xc4: {  	[sflag:s18] =	ssyncadd.s32 $0xFFFFC000  }
0xc5: {  	[spmem:s3] =	stream.indirect.scatter.add.f32 [tilespmem:s13], [sflag:$0x3], $0x80, s6, s16, $0xb8;
	[tilespmem:$0x1C480] =	vst v63  }
0xc6: {  	_ =	swait.ge [sflag:s21], $0x4000  }
0xc7: {  	[sflag:s21] =	ssyncset.done $0x0  }
0xc8: {  	[sflag:s21] =	ssyncadd.s32 $0xFFFFC000  }
0xc9: {  	[spmem:s3] =	stream.indirect.scatter.add.f32 [tilespmem:s17], [sflag:$0x4], $0x80, s7, s16, $0xb8;
	[tilespmem:$0x1C480] =	vst v63  }
.Ltmp1:
0xca: {  	_ =	swait.ge [sflag:s19], $0x4000;
	(pc) =	sbr.rel @p0 .LBB2_4-.Ltmp1, $4  }
0xcb: {  	[sflag:s19] =	ssyncset.done $0x0  }
0xcc: {  	[sflag:s19] =	ssyncadd.s32 $0xFFFFC000  }
0xcd: {  	_ =	swait.ge [sflag:s23], $0x4000  }
0xce: {  	s9 =	smov.u32 s8;
	s10 =	smov.u32 s11;
	[sflag:s23] =	ssyncset.done $0x0  }
0xcf: {  	s5 =	sadd.s32 s9, s12;
	[sflag:s23] =	ssyncadd.s32 $0xFFFFC000  }
0xd0: {  	[tilespmem:s4], [sflag:$0x5] =	stream.linear.gather [hbm4b:s5+s4], $0x400, $0x38;
	[tilespmem:$0x1C480] =	vst v63  }
0xd1: {  	_ =	swait.ge [sflag:s14], $0x400  }
0xd2: {  	s8 =	rddreg [dreg:$0x5];
	[sflag:s14] =	ssyncset.done $0x0  }
0xd3: {  	[sflag:s14] =	ssyncadd.s32 $0xFFFFFC00;
	s5 =	sadd.s32 s9, s8  }
0xd4: {  	[tilespmem:s15], [sflag:$0x5] =	stream.linear.gather [hbm4b:s5+s4], $0x400, $0x38;
	[tilespmem:$0x1C480] =	vst v63  }
0xd5: {  	_ =	swait.ge [sflag:s14], $0x400  }
0xd6: {  	[sflag:s14] =	ssyncset.done $0x0  }
0xd7: {  	[sflag:s14] =	ssyncadd.s32 $0xFFFFFC00  }
0xd8: {  	[tilespmem:s13], [sflag:$0x1] =	stream.indirect.gather [hbm4b:s0+s16], $0x80, s4, s16, $0xb8;
	[tilespmem:$0x1C480] =	vst v63  }
0xd9: {  	_ = 	snop  }
0xda: {  	[tilespmem:s17], [sflag:$0x2] =	stream.indirect.gather [hbm4b:s0+s16], $0x80, s16, s16, $0xb8;
	[tilespmem:$0x1C480] =	vst v63  }
0xdb: {  	_ =	swait.ge [sflag:s18], $0x4000  }
0xdc: {  	[sflag:s18] =	ssyncset.done $0x0  }
0xdd: {  	[sflag:s18] =	ssyncadd.s32 $0xFFFFC000  }
0xde: {  	[spmem:s3] =	stream.indirect.scatter.add.f32 [tilespmem:s13], [sflag:$0x3], $0x80, s15, s16, $0xb8;
	[tilespmem:$0x1C480] =	vst v63  }
0xdf: {  	_ =	swait.ge [sflag:s19], $0x4000  }
0xe0: {  	[sflag:s19] =	ssyncset.done $0x0  }
0xe1: {  	[sflag:s19] =	ssyncadd.s32 $0xFFFFC000  }
0xe2: {  	[tilespmem:s13], [sflag:$0x1] =	stream.indirect.gather [hbm4b:s0+s16], $0x80, s20, s16, $0xb8;
	[tilespmem:$0x1C480] =	vst v63  }
0xe3: {  	_ =	swait.ge [sflag:s21], $0x4000  }
0xe4: {  	[sflag:s21] =	ssyncset.done $0x0  }
0xe5: {  	[sflag:s21] =	ssyncadd.s32 $0xFFFFC000  }
0xe6: {  	[spmem:s3] =	stream.indirect.scatter.add.f32 [tilespmem:s17], [sflag:$0x4], $0x80, s22, s16, $0xb8;
	[tilespmem:$0x1C480] =	vst v63  }
0xe7: {  	_ =	swait.ge [sflag:s23], $0x4000  }
0xe8: {  	[sflag:s23] =	ssyncset.done $0x0  }
0xe9: {  	[sflag:s23] =	ssyncadd.s32 $0xFFFFC000  }
0xea: {  	[tilespmem:s17], [sflag:$0x2] =	stream.indirect.gather [hbm4b:s0+s16], $0x80, s24, s16, $0xb8;
	[tilespmem:$0x1C480] =	vst v63  }
0xeb: {  	_ =	swait.ge [sflag:s18], $0x4000  }
0xec: {  	[sflag:s18] =	ssyncset.done $0x0  }
0xed: {  	[sflag:s18] =	ssyncadd.s32 $0xFFFFC000  }
0xee: {  	[spmem:s3] =	stream.indirect.scatter.add.f32 [tilespmem:s13], [sflag:$0x3], $0x80, s25, s16, $0xb8;
	[tilespmem:$0x1C480] =	vst v63  }
0xef: {  	_ =	swait.ge [sflag:s19], $0x4000  }
0xf0: {  	[sflag:s19] =	ssyncset.done $0x0  }
0xf1: {  	[sflag:s19] =	ssyncadd.s32 $0xFFFFC000  }
0xf2: {  	[tilespmem:s13], [sflag:$0x1] =	stream.indirect.gather [hbm4b:s0+s16], $0x80, s26, s16, $0xb8;
	[tilespmem:$0x1C480] =	vst v63  }
0xf3: {  	_ =	swait.ge [sflag:s21], $0x4000  }
0xf4: {  	[sflag:s21] =	ssyncset.done $0x0  }
0xf5: {  	[sflag:s21] =	ssyncadd.s32 $0xFFFFC000  }
0xf6: {  	[spmem:s3] =	stream.indirect.scatter.add.f32 [tilespmem:s17], [sflag:$0x4], $0x80, s28, s16, $0xb8;
	[tilespmem:$0x1C480] =	vst v63  }
0xf7: {  	_ =	swait.ge [sflag:s23], $0x4000  }
0xf8: {  	[sflag:s23] =	ssyncset.done $0x0  }
0xf9: {  	[sflag:s23] =	ssyncadd.s32 $0xFFFFC000  }
0xfa: {  	[tilespmem:s17], [sflag:$0x2] =	stream.indirect.gather [hbm4b:s0+s16], $0x80, s29, s16, $0xb8;
	[tilespmem:$0x1C480] =	vst v63  }
0xfb: {  	_ =	swait.ge [sflag:s18], $0x4000  }
0xfc: {  	[sflag:s18] =	ssyncset.done $0x0  }
0xfd: {  	[sflag:s18] =	ssyncadd.s32 $0xFFFFC000  }
0xfe: {  	[spmem:s3] =	stream.indirect.scatter.add.f32 [tilespmem:s13], [sflag:$0x3], $0x80, s30, s16, $0xb8;
	[tilespmem:$0x1C480] =	vst v63  }
0xff: {  	_ =	swait.ge [sflag:s19], $0x4000  }
0x100: {  	[sflag:s19] =	ssyncset.done $0x0  }
0x101: {  	[sflag:s19] =	ssyncadd.s32 $0xFFFFC000  }
0x102: {  	[tilespmem:s13], [sflag:$0x1] =	stream.indirect.gather [hbm4b:s0+s16], $0x80, s31, s16, $0xb8;
	[tilespmem:$0x1C480] =	vst v63  }
0x103: {  	_ =	swait.ge [sflag:s21], $0x4000  }
0x104: {  	[sflag:s21] =	ssyncset.done $0x0  }
0x105: {  	[sflag:s21] =	ssyncadd.s32 $0xFFFFC000  }
0x106: {  	[spmem:s3] =	stream.indirect.scatter.add.f32 [tilespmem:s17], [sflag:$0x4], $0x80, s2, s16, $0xb8;
	[tilespmem:$0x1C480] =	vst v63  }
0x107: {  	_ =	swait.ge [sflag:s23], $0x4000  }
0x108: {  	[sflag:s23] =	ssyncset.done $0x0  }
0x109: {  	[sflag:s23] =	ssyncadd.s32 $0xFFFFC000  }
0x10a: {  	[tilespmem:s17], [sflag:$0x2] =	stream.indirect.gather [hbm4b:s0+s16], $0x80, s1, s16, $0xb8;
	[tilespmem:$0x1C480] =	vst v63  }
0x10b: {  	_ =	swait.ge [sflag:s18], $0x4000  }
0x10c: {  	[sflag:s18] =	ssyncset.done $0x0  }
0x10d: {  	[sflag:s18] =	ssyncadd.s32 $0xFFFFC000  }
0x10e: {  	[spmem:s3] =	stream.indirect.scatter.add.f32 [tilespmem:s13], [sflag:$0x3], $0x80, s6, s16, $0xb8;
	[tilespmem:$0x1C480] =	vst v63  }
0x10f: {  	_ =	swait.ge [sflag:s21], $0x4000  }
0x110: {  	[sflag:s21] =	ssyncset.done $0x0  }
0x111: {  	[sflag:s21] =	ssyncadd.s32 $0xFFFFC000  }
0x112: {  	[spmem:s3] =	stream.indirect.scatter.add.f32 [tilespmem:s17], [sflag:$0x4], $0x80, s7, s16, $0xb8;
	[tilespmem:$0x1C480] =	vst v63  }
0x113: {  	_ =	swait.ge [sflag:s19], $0x4000  }
0x114: {  	[sflag:s19] =	ssyncset.done $0x0  }
0x115: {  	[sflag:s19] =	ssyncadd.s32 $0xFFFFC000  }
0x116: {  	_ =	swait.ge [sflag:s23], $0x4000  }
0x117: {  	[sflag:s23] =	ssyncset.done $0x0  }
0x118: {  	[sflag:s23] =	ssyncadd.s32 $0xFFFFC000  }
0x119: {  	s10 =	stileid.u32;
	[bflag:$0x0] =	sbarrier.arrive $0xFFFF  }
0x11a: {  	s5 =	sshll.u32 s10, $0x6;
	s8 =	rddreg [dreg:$0x6]  }
0x11b: {  	s5 =	sor.u32 $0x1C05, s5;
	s11 =	rddreg [dreg:$0x8];
	s8 =	sshrl.u32 s8, $0x3  }
0x11c: {  	[hbm:s11], [sflag:s5] =	dma.local [spmem:s8], $0x2780  }
0x11d: {  	_ =	swait.ge [sflag:s14], $0x2780  }
0x11e: {  	s10 =	rddreg [dreg:$0xd]  }
0x11f: {  	s11 =	rddreg [dreg:$0x9];
	s8 =	sadd.s32 $0x1, s10  }
0x120: {  	p0 =	sne.s32 s8, s11  }
.Ltmp2:
0x121: {  	_ = 	snop;
	(pc) =	sbr.rel @p0 .LBB2_1-.Ltmp2, $3  }
0x122: {  	_ =	sdelay $0x1  }
0x123: {  	[sflag:s14] =	ssyncset.done $0x0  }
0x124: {  	[sflag:s14] =	ssyncadd.s32 $0xFFFFD880  }
0x125: {  	_ =	sfence.sel $0x180000  }
0x126: {  	[bflag:$0x0] =	sbarrier.arrive $0xFFFF  }
0x127: {  	_ =	strace $0x90000047  }
0x128: {  	s0 =	stileid.u32;
	[bflag:$0x2] =	sbarrier.arrive $0xFFFF  }
0x129: {  	p0 =	sne.s32 s0, $0x0;
	s0 =	rddreg [dreg:$0x4]  }
0x12a: {  	s0 =	sadd.s32 @!p0 $0x100000, s0  }
0x12b: {  	[sflag:s0] =	ssyncadd.tile.s32 @!p0 $0x1;
	_ =	shalt  }
.Lfunc_end2:
_tile_overlayer_lowered:
.L_overlay_start_2:
0x12c: {  	(tag) =	ssettag $0x2  }
0x12d: {  	s0 =	rddreg [dreg:$0x0];
	s2 =	stileid.u32  }
0x12e: {  	s1 =	rddreg [dreg:$0x1];
	p0 =	sne.s32 s2, $0x0  }
0x12f: {  	s3 =	rddreg [dreg:$0x2];
	[bflag:$0x3] =	sbarrier.arrive $0xFFFF;
	s2 =	simm.s32 @!p0 $0x1C05  }
0x130: {  	[timem:s3], [sflag:s2] =	dma.local @!p0 [hbm:s0], s1  }
0x131: {  	s0 =	simm.s32 @!p0 $0x5  }
0x132: {  	_ =	swait.ge @!p0 [sflag:s0], s1  }
0x133: {  	s1 =	ssub.s32 @!p0 $0x0, s1;
	[sflag:s0] =	ssyncset.done @!p0 $0x0  }
0x134: {  	[sflag:s0] =	ssyncadd.s32 @!p0 s1  }
0x135: {  	[bflag:$0x3] =	sbarrier.arrive $0xFFFF  }
0x136: {  	_ =	shalt  }

</sc_bundles>
